<compile_context>
chip_gen: v7x
topology: tpu7x:2x2x1
jax: 0.10.2.dev20260603
libtpu: 0.0.44.dev20260713+nightly
codegen_flags: <defaults>
</compile_context>

<pallas_src>
import functools

import numpy as np
import jax
import jax.numpy as jnp
from jax import lax
from jax.experimental import pallas as pl
from jax.experimental.pallas import tpu as pltpu
from jax.experimental.pallas import tpu_sc as plsc

_N = 512
_NUM_STEPS = 151
_STEP = np.float32(2.0 / (_NUM_STEPS - 1))
_INV = np.float32(1.0) / _STEP
_HROWS = 320
_POS_OFF = 160
_NC = 2
_NS = 16
_NW = _NC * _NS
_BR = _N // _NW // 2
_L = 16
_PAIRS_UPPER = np.float32(_N * (_N - 1) // 2)

_HAS_A_BITS = "11101110111110110111110110111110110111101111011110111011110111011110111011111101111111101111111110111111110111111110111111110111111110111111110111111110"
_HAS_A = np.zeros((_POS_OFF,), np.float32)
_HAS_A[: len(_HAS_A_BITS)] = np.frombuffer(_HAS_A_BITS.encode(), np.uint8) == ord("1")


def _matmul_body(f_ref, out_ref):
    f = f_ref[...]
    out_ref[...] = lax.dot_general(
        f, f, dimension_numbers=(((1,), (1,)), ((), ())),
        preferred_element_type=jnp.float32,
        precision=None,
    )


_matmul = pl.pallas_call(
    _matmul_body,
    out_shape=jax.ShapeDtypeStruct((_N, _N), jnp.float32),
)


def _hist_body(dists_hbm, classes_hbm, hasa_hbm, out_hbm, rows_v, cls_v, hasa_v, h_v):
    wid = lax.axis_index("s") * _NC + lax.axis_index("c")
    base_a = wid * _BR
    base_b = (_N - _BR) - wid * _BR
    pltpu.sync_copy(dists_hbm.at[pl.ds(base_a, _BR)], rows_v.at[pl.ds(0, _BR)])
    pltpu.sync_copy(dists_hbm.at[pl.ds(base_b, _BR)], rows_v.at[pl.ds(_BR, _BR)])
    pltpu.sync_copy(classes_hbm, cls_v)
    pltpu.sync_copy(hasa_hbm, hasa_v)

    zero = jnp.zeros((_L,), jnp.float32)

    def zero_body(cc, _):
        for l in range(_L):
            h_v[l, pl.ds(cc * _L, _L)] = zero
        return 0

    lax.fori_loop(0, _HROWS // _L, zero_body, 0)

    lane = lax.iota(jnp.int32, _L)

    def row_body(t, cnt):
        in_a = t < _BR
        r = jnp.where(in_a, base_a + t, base_b + (t - _BR))
        cls_i = plsc.load_gather(cls_v, [jnp.full((_L,), r, jnp.int32)])

        def chunk(c, cnt):
            s = rows_v[t, pl.ds(c * _L, _L)]
            cls_c = cls_v[pl.ds(c * _L, _L)]
            x = (s + 1.0) / _STEP
            ki = jnp.minimum(x.astype(jnp.int32), 150)
            kf = ki.astype(jnp.float32)
            tk0 = kf * _STEP - 1.0
            a_val = (s - tk0) * _INV
            b_val = 1.0 - a_val
            a_val = a_val * plsc.load_gather(hasa_v, [ki + 1])
            valid = (c * _L + lane) > r
            pos = jnp.logical_and(valid, cls_c == cls_i)
            off = jnp.where(pos, _POS_OFF, 0)
            idx_b = (ki + 1) + off
            plsc.addupdate_scatter(h_v, [lane, idx_b], b_val, mask=valid)
            plsc.addupdate_scatter(h_v, [lane, idx_b + 1], a_val, mask=valid)
            return cnt + jnp.where(pos, 1.0, 0.0)

        return plsc.parallel_loop(r >> 4, _N // _L, 1, unroll=4, carry=cnt)(chunk)

    cnt = plsc.parallel_loop(0, 2 * _BR, 1, carry=jnp.zeros((_L,), jnp.float32))(row_body)

    plsc.store_scatter(h_v, [lane, jnp.full((_L,), _POS_OFF + 153, jnp.int32)], cnt)
    pltpu.sync_copy(h_v, out_hbm.at[pl.ds(wid * _L, _L)])


_hist = functools.partial(
    pl.kernel,
    out_type=jax.ShapeDtypeStruct((_NW * _L, _HROWS), jnp.float32),
    mesh=plsc.VectorSubcoreMesh(core_axis_name="c", subcore_axis_name="s"),
    scratch_types=[
        pltpu.VMEM((2 * _BR, _N), jnp.float32),
        pltpu.VMEM((_N,), jnp.int32),
        pltpu.VMEM((_POS_OFF,), jnp.float32),
        pltpu.VMEM((_L, _HROWS), jnp.float32),
    ],
    compiler_params=pltpu.CompilerParams(needs_layout_passes=False),
)(_hist_body)


def _finish_body(parts_ref, out_ref):
    p = parts_ref[...]
    sums = jnp.sum(p, axis=0, keepdims=True)
    negb = lax.slice(sums, (0, 1), (1, 152))
    posb = lax.slice(sums, (0, _POS_OFF + 1), (1, _POS_OFF + 152))
    cnt = lax.slice(sums, (0, _POS_OFF + 153), (1, _POS_OFF + 154))
    ir = lax.broadcasted_iota(jnp.int32, (_NUM_STEPS, _NUM_STEPS), 0)
    ib = lax.broadcasted_iota(jnp.int32, (_NUM_STEPS, _NUM_STEPS), 1)
    le = jnp.where(ir <= ib, 1.0, 0.0)
    cdf = lax.dot_general(
        posb, le, (((1,), (0,)), ((), ())),
        preferred_element_type=jnp.float32,
        precision=None,
    )
    total = jnp.sum(cdf * negb, axis=1, keepdims=True)
    neg_size = _PAIRS_UPPER - cnt
    out_ref[...] = total / (cnt * neg_size)


_finish = pl.pallas_call(
    _finish_body,
    out_shape=jax.ShapeDtypeStruct((1, 1), jnp.float32),
)


def kernel(features, classes):
    dists = _matmul(features)
    parts = _hist(dists, classes.astype(jnp.int32), jnp.asarray(_HAS_A))
    loss = _finish(parts)
    return loss[0, 0]

# --- scband reference (transcript-rebuilt; emitter-appended) ---
"""Pipeline reference for scband-histogram-loss-76665166233919 (READ-ONLY COPY).

The authoritative reference and input builder live on the scoring server;
editing this copy changes nothing except your own understanding.
"""

import jax, jax.numpy as jnp
import numpy as np

NUM_STEPS = 151
B = 512
D = 128
NUM_CLASSES = 64


def setup_inputs(seed: int = 0) -> dict:
    key = jax.random.key(seed)
    k1, k2 = jax.random.split(key)
    feats = jax.random.normal(k1, (B, D), dtype=jnp.float32)
    # L2-normalize so pairwise dot products lie in [-1, 1] (as the loss expects)
    feats = feats / jnp.linalg.norm(feats, axis=1, keepdims=True)
    classes = jax.random.randint(k2, (B,), 0, NUM_CLASSES, dtype=jnp.int64 if jax.config.jax_enable_x64 else jnp.int32)
    return {"features": feats, "classes": classes}


def reference(features, classes):
    num_steps = NUM_STEPS
    step = 2.0 / (num_steps - 1)
    # torch.range(-1, 1, step) -> inclusive endpoints, num_steps values
    t = (jnp.arange(num_steps, dtype=jnp.float32) * step - 1.0).reshape(-1, 1)
    tsize = num_steps
    n = features.shape[0]

    classes_eq = classes[None, :] == classes[:, None]
    dists = features @ features.T

    iu = np.triu_indices(n, 1)  # strict upper triangle, same order as torch mask select
    s = dists[iu].reshape(1, -1)
    pair_eq = classes_eq[iu]

    pos_inds = jnp.tile(pair_eq, (tsize, 1))
    neg_inds = jnp.tile(~pair_eq, (tsize, 1))
    pos_size = pair_eq.sum()
    neg_size = (~pair_eq).sum()

    s_repeat = jnp.tile(s, (tsize, 1))
    delta_repeat = (jnp.floor((jax.lax.stop_gradient(s_repeat) + 1.0) / step) * step - 1.0).astype(jnp.float32)

    def histogram(inds, size):
        indsa = (delta_repeat == (t - step)) & inds
        indsb = (delta_repeat == t) & inds
        a_val = (s_repeat - t + step) / step
        b_val = (-s_repeat + t + step) / step
        s_rep = jnp.where(indsa, a_val, jnp.where(indsb, b_val, jnp.zeros_like(s_repeat)))
        return s_rep.sum(1) / size

    h_pos = histogram(pos_inds, pos_size)
    h_neg = histogram(neg_inds, neg_size)

    hp_rep = jnp.tile(h_pos.reshape(-1, 1), (1, tsize))
    tril_mask = jnp.tril(jnp.ones((tsize, tsize), dtype=bool), -1)
    hp_rep = jnp.where(tril_mask, jnp.zeros_like(hp_rep), hp_rep)
    h_pos_cdf = hp_rep.sum(0)

    loss = jnp.sum(h_neg * h_pos_cdf)
    return loss

if __name__ == "__main__":
    import jax
    _d = setup_inputs()
    print(jax.jit(kernel)(*tuple(_d.values())))

</pallas_src>

<mosaic_0001>
#map = affine_map<(d0, d1) -> (0, 0)>
#map1 = affine_map<(d0, d1) -> (0)>
module attributes {stable_mosaic.version = 14 : i64} {
  func.func @_hist_body(%arg0: i32, %arg1: i32, %arg2: memref<512x512xf32, #tpu.memory_space<hbm>>, %arg3: memref<512xi32, #tpu.memory_space<hbm>>, %arg4: memref<160xf32, #tpu.memory_space<hbm>>, %arg5: memref<512x320xf32, #tpu.memory_space<hbm>>, %arg6: memref<16x512xf32, #tpu.memory_space<vmem>>, %arg7: memref<512xi32, #tpu.memory_space<vmem>>, %arg8: memref<160xf32, #tpu.memory_space<vmem>>, %arg9: memref<16x320xf32, #tpu.memory_space<vmem>>) attributes {dimension_semantics = [#tpu.dimension_semantics<core_parallel>, #tpu.dimension_semantics<subcore_parallel>], iteration_bounds = array<i64: 2, 16>, scalar_prefetch = 0 : i64, scratch_operands = 4 : i64, tpu.core_type = #tpu.core_type<sc_vector_subcore>, window_params = [{transform_indices = #map}, {transform_indices = #map1}, {transform_indices = #map1}, {transform_indices = #map}]} {
    %mul3A = arith.constant 2 : i32
    %mul3A_0 = arith.muli %arg1, %mul3A : i32
    %add3A = arith.addi %mul3A_0, %arg0 : i32
    %mul3A_1 = arith.constant 8 : i32
    %mul3A_2 = arith.muli %add3A, %mul3A_1 : i32
    %mul3A_3 = arith.constant 8 : i32
    %mul3A_4 = arith.muli %add3A, %mul3A_3 : i32
    %sub3A = arith.constant 504 : i32
    %sub3A_5 = arith.subi %sub3A, %mul3A_4 : i32
    "tpu.region"() ({
      %run_scoped3A = tpu.sem_alloc : memref<!tpu.dma_semaphore, #tpu.memory_space<semaphore_mem>>
      %dma_start3A = arith.constant 0 : i32
      %dma_start3A_22 = arith.constant 0 : i32
      %dma_start3A_23 = tpu.memref_slice %arg6[%dma_start3A, %dma_start3A_22] : memref<16x512xf32, #tpu.memory_space<vmem>> -> memref<8x512xf32, #tpu.memory_space<vmem>>
      %dma_start3A_24 = arith.constant 0 : i32
      %dma_start3A_25 = tpu.memref_slice %arg2[%mul3A_2, %dma_start3A_24] : memref<512x512xf32, #tpu.memory_space<hbm>> -> memref<8x512xf32, #tpu.memory_space<hbm>>
      %dma_start3A_26 = arith.constant 0 : i32
      %dma_start3A_27 = arith.constant 0 : i32
      %dma_start3A_28 = tpu.memref_slice %arg6[%dma_start3A_26, %dma_start3A_27] : memref<16x512xf32, #tpu.memory_space<vmem>> -> memref<8x512xf32, #tpu.memory_space<vmem>>
      %dma_start3A_29 = arith.constant 0 : i32
      %dma_start3A_30 = tpu.memref_slice %arg2[%mul3A_2, %dma_start3A_29] : memref<512x512xf32, #tpu.memory_space<hbm>> -> memref<8x512xf32, #tpu.memory_space<hbm>>
      tpu.enqueue_dma source(%dma_start3A_30 : memref<8x512xf32, #tpu.memory_space<hbm>>) target(%dma_start3A_28 : memref<8x512xf32, #tpu.memory_space<vmem>>) target_semaphore(%run_scoped3A : memref<!tpu.dma_semaphore, #tpu.memory_space<semaphore_mem>>)
      %dma_wait3A = arith.constant 0 : i32
      %dma_wait3A_31 = arith.constant 0 : i32
      %dma_wait3A_32 = tpu.memref_slice %arg6[%dma_wait3A, %dma_wait3A_31] : memref<16x512xf32, #tpu.memory_space<vmem>> -> memref<8x512xf32, #tpu.memory_space<vmem>>
      %dma_wait3A_33 = arith.constant 0 : i32
      %dma_wait3A_34 = tpu.memref_slice %arg2[%mul3A_2, %dma_wait3A_33] : memref<512x512xf32, #tpu.memory_space<hbm>> -> memref<8x512xf32, #tpu.memory_space<hbm>>
      %dma_wait3A_35 = arith.constant 0 : i32
      %dma_wait3A_36 = arith.constant 0 : i32
      %dma_wait3A_37 = tpu.memref_slice %arg6[%dma_wait3A_35, %dma_wait3A_36] : memref<16x512xf32, #tpu.memory_space<vmem>> -> memref<8x512xf32, #tpu.memory_space<vmem>>
      %dma_wait3A_38 = arith.constant 0 : i32
      %dma_wait3A_39 = tpu.memref_slice %arg2[%mul3A_2, %dma_wait3A_38] : memref<512x512xf32, #tpu.memory_space<hbm>> -> memref<8x512xf32, #tpu.memory_space<hbm>>
      tpu.wait_dma2 semaphore(%run_scoped3A : memref<!tpu.dma_semaphore, #tpu.memory_space<semaphore_mem>>) src(%dma_wait3A_39 : memref<8x512xf32, #tpu.memory_space<hbm>>) dst(%dma_wait3A_37 : memref<8x512xf32, #tpu.memory_space<vmem>>)
      tpu.yield
    }) : () -> ()
    "tpu.region"() ({
      %run_scoped3A = tpu.sem_alloc : memref<!tpu.dma_semaphore, #tpu.memory_space<semaphore_mem>>
      %dma_start3A = arith.constant 8 : i32
      %dma_start3A_22 = arith.constant 0 : i32
      %dma_start3A_23 = tpu.memref_slice %arg6[%dma_start3A, %dma_start3A_22] : memref<16x512xf32, #tpu.memory_space<vmem>> -> memref<8x512xf32, #tpu.memory_space<vmem>>
      %dma_start3A_24 = arith.constant 0 : i32
      %dma_start3A_25 = tpu.memref_slice %arg2[%sub3A_5, %dma_start3A_24] : memref<512x512xf32, #tpu.memory_space<hbm>> -> memref<8x512xf32, #tpu.memory_space<hbm>>
      %dma_start3A_26 = arith.constant 8 : i32
      %dma_start3A_27 = arith.constant 0 : i32
      %dma_start3A_28 = tpu.memref_slice %arg6[%dma_start3A_26, %dma_start3A_27] : memref<16x512xf32, #tpu.memory_space<vmem>> -> memref<8x512xf32, #tpu.memory_space<vmem>>
      %dma_start3A_29 = arith.constant 0 : i32
      %dma_start3A_30 = tpu.memref_slice %arg2[%sub3A_5, %dma_start3A_29] : memref<512x512xf32, #tpu.memory_space<hbm>> -> memref<8x512xf32, #tpu.memory_space<hbm>>
      tpu.enqueue_dma source(%dma_start3A_30 : memref<8x512xf32, #tpu.memory_space<hbm>>) target(%dma_start3A_28 : memref<8x512xf32, #tpu.memory_space<vmem>>) target_semaphore(%run_scoped3A : memref<!tpu.dma_semaphore, #tpu.memory_space<semaphore_mem>>)
      %dma_wait3A = arith.constant 8 : i32
      %dma_wait3A_31 = arith.constant 0 : i32
      %dma_wait3A_32 = tpu.memref_slice %arg6[%dma_wait3A, %dma_wait3A_31] : memref<16x512xf32, #tpu.memory_space<vmem>> -> memref<8x512xf32, #tpu.memory_space<vmem>>
      %dma_wait3A_33 = arith.constant 0 : i32
      %dma_wait3A_34 = tpu.memref_slice %arg2[%sub3A_5, %dma_wait3A_33] : memref<512x512xf32, #tpu.memory_space<hbm>> -> memref<8x512xf32, #tpu.memory_space<hbm>>
      %dma_wait3A_35 = arith.constant 8 : i32
      %dma_wait3A_36 = arith.constant 0 : i32
      %dma_wait3A_37 = tpu.memref_slice %arg6[%dma_wait3A_35, %dma_wait3A_36] : memref<16x512xf32, #tpu.memory_space<vmem>> -> memref<8x512xf32, #tpu.memory_space<vmem>>
      %dma_wait3A_38 = arith.constant 0 : i32
      %dma_wait3A_39 = tpu.memref_slice %arg2[%sub3A_5, %dma_wait3A_38] : memref<512x512xf32, #tpu.memory_space<hbm>> -> memref<8x512xf32, #tpu.memory_space<hbm>>
      tpu.wait_dma2 semaphore(%run_scoped3A : memref<!tpu.dma_semaphore, #tpu.memory_space<semaphore_mem>>) src(%dma_wait3A_39 : memref<8x512xf32, #tpu.memory_space<hbm>>) dst(%dma_wait3A_37 : memref<8x512xf32, #tpu.memory_space<vmem>>)
      tpu.yield
    }) : () -> ()
    "tpu.region"() ({
      %run_scoped3A = tpu.sem_alloc : memref<!tpu.dma_semaphore, #tpu.memory_space<semaphore_mem>>
      tpu.enqueue_dma source(%arg3 : memref<512xi32, #tpu.memory_space<hbm>>) target(%arg7 : memref<512xi32, #tpu.memory_space<vmem>>) target_semaphore(%run_scoped3A : memref<!tpu.dma_semaphore, #tpu.memory_space<semaphore_mem>>)
      tpu.wait_dma2 semaphore(%run_scoped3A : memref<!tpu.dma_semaphore, #tpu.memory_space<semaphore_mem>>) src(%arg3 : memref<512xi32, #tpu.memory_space<hbm>>) dst(%arg7 : memref<512xi32, #tpu.memory_space<vmem>>)
      tpu.yield
    }) : () -> ()
    "tpu.region"() ({
      %run_scoped3A = tpu.sem_alloc : memref<!tpu.dma_semaphore, #tpu.memory_space<semaphore_mem>>
      tpu.enqueue_dma source(%arg4 : memref<160xf32, #tpu.memory_space<hbm>>) target(%arg8 : memref<160xf32, #tpu.memory_space<vmem>>) target_semaphore(%run_scoped3A : memref<!tpu.dma_semaphore, #tpu.memory_space<semaphore_mem>>)
      tpu.wait_dma2 semaphore(%run_scoped3A : memref<!tpu.dma_semaphore, #tpu.memory_space<semaphore_mem>>) src(%arg4 : memref<160xf32, #tpu.memory_space<hbm>>) dst(%arg8 : memref<160xf32, #tpu.memory_space<vmem>>)
      tpu.yield
    }) : () -> ()
    %broadcast_in_dim3A = arith.constant 0.000000e+00 : f32
    %broadcast_in_dim3A_6 = vector.broadcast %broadcast_in_dim3A : f32 to vector<16xf32>
    %scan3A = arith.constant 0 : i32
    %scan3A_7 = arith.constant 0 : i32
    %scan3A_8 = arith.constant 20 : i32
    %scan3A_9 = arith.addi %scan3A_7, %scan3A_8 : i32
    %scan3A_10 = arith.constant 1 : i32
    %scan3A_11 = scf.for %scan3A_22 = %scan3A_7 to %scan3A_9 step %scan3A_10 iter_args(%scan3A_23 = %scan3A) -> (i32)  : i32 {
      %mul3A_24 = arith.constant 16 : i32
      %mul3A_25 = arith.muli %scan3A_22, %mul3A_24 : i32
      %swap3A = arith.constant 0 : i32
      %swap3A_26 = arith.index_cast %swap3A : i32 to index
      %swap3A_27 = arith.index_cast %mul3A_25 : i32 to index
      %swap3A_28 = tpu.vector_load %arg9[%swap3A_26, %swap3A_27] {strides = array<i32>} : memref<16x320xf32, #tpu.memory_space<vmem>>, vector<16xf32>,
      tpu.vector_store %arg9[%swap3A_26, %swap3A_27], %broadcast_in_dim3A_6 {strides = array<i32>} : memref<16x320xf32, #tpu.memory_space<vmem>>, vector<16xf32>,
      %mul3A_29 = arith.constant 16 : i32
      %mul3A_30 = arith.muli %scan3A_22, %mul3A_29 : i32
      %swap3A_31 = arith.constant 1 : i32
      %swap3A_32 = arith.index_cast %swap3A_31 : i32 to index
      %swap3A_33 = arith.index_cast %mul3A_30 : i32 to index
      %swap3A_34 = tpu.vector_load %arg9[%swap3A_32, %swap3A_33] {strides = array<i32>} : memref<16x320xf32, #tpu.memory_space<vmem>>, vector<16xf32>,
      tpu.vector_store %arg9[%swap3A_32, %swap3A_33], %broadcast_in_dim3A_6 {strides = array<i32>} : memref<16x320xf32, #tpu.memory_space<vmem>>, vector<16xf32>,
      %mul3A_35 = arith.constant 16 : i32
      %mul3A_36 = arith.muli %scan3A_22, %mul3A_35 : i32
      %swap3A_37 = arith.constant 2 : i32
      %swap3A_38 = arith.index_cast %swap3A_37 : i32 to index
      %swap3A_39 = arith.index_cast %mul3A_36 : i32 to index
      %swap3A_40 = tpu.vector_load %arg9[%swap3A_38, %swap3A_39] {strides = array<i32>} : memref<16x320xf32, #tpu.memory_space<vmem>>, vector<16xf32>,
      tpu.vector_store %arg9[%swap3A_38, %swap3A_39], %broadcast_in_dim3A_6 {strides = array<i32>} : memref<16x320xf32, #tpu.memory_space<vmem>>, vector<16xf32>,
      %mul3A_41 = arith.constant 16 : i32
      %mul3A_42 = arith.muli %scan3A_22, %mul3A_41 : i32
      %swap3A_43 = arith.constant 3 : i32
      %swap3A_44 = arith.index_cast %swap3A_43 : i32 to index
      %swap3A_45 = arith.index_cast %mul3A_42 : i32 to index
      %swap3A_46 = tpu.vector_load %arg9[%swap3A_44, %swap3A_45] {strides = array<i32>} : memref<16x320xf32, #tpu.memory_space<vmem>>, vector<16xf32>,
      tpu.vector_store %arg9[%swap3A_44, %swap3A_45], %broadcast_in_dim3A_6 {strides = array<i32>} : memref<16x320xf32, #tpu.memory_space<vmem>>, vector<16xf32>,
      %mul3A_47 = arith.constant 16 : i32
      %mul3A_48 = arith.muli %scan3A_22, %mul3A_47 : i32
      %swap3A_49 = arith.constant 4 : i32
      %swap3A_50 = arith.index_cast %swap3A_49 : i32 to index
      %swap3A_51 = arith.index_cast %mul3A_48 : i32 to index
      %swap3A_52 = tpu.vector_load %arg9[%swap3A_50, %swap3A_51] {strides = array<i32>} : memref<16x320xf32, #tpu.memory_space<vmem>>, vector<16xf32>,
      tpu.vector_store %arg9[%swap3A_50, %swap3A_51], %broadcast_in_dim3A_6 {strides = array<i32>} : memref<16x320xf32, #tpu.memory_space<vmem>>, vector<16xf32>,
      %mul3A_53 = arith.constant 16 : i32
      %mul3A_54 = arith.muli %scan3A_22, %mul3A_53 : i32
      %swap3A_55 = arith.constant 5 : i32
      %swap3A_56 = arith.index_cast %swap3A_55 : i32 to index
      %swap3A_57 = arith.index_cast %mul3A_54 : i32 to index
      %swap3A_58 = tpu.vector_load %arg9[%swap3A_56, %swap3A_57] {strides = array<i32>} : memref<16x320xf32, #tpu.memory_space<vmem>>, vector<16xf32>,
      tpu.vector_store %arg9[%swap3A_56, %swap3A_57], %broadcast_in_dim3A_6 {strides = array<i32>} : memref<16x320xf32, #tpu.memory_space<vmem>>, vector<16xf32>,
      %mul3A_59 = arith.constant 16 : i32
      %mul3A_60 = arith.muli %scan3A_22, %mul3A_59 : i32
      %swap3A_61 = arith.constant 6 : i32
      %swap3A_62 = arith.index_cast %swap3A_61 : i32 to index
      %swap3A_63 = arith.index_cast %mul3A_60 : i32 to index
      %swap3A_64 = tpu.vector_load %arg9[%swap3A_62, %swap3A_63] {strides = array<i32>} : memref<16x320xf32, #tpu.memory_space<vmem>>, vector<16xf32>,
      tpu.vector_store %arg9[%swap3A_62, %swap3A_63], %broadcast_in_dim3A_6 {strides = array<i32>} : memref<16x320xf32, #tpu.memory_space<vmem>>, vector<16xf32>,
      %mul3A_65 = arith.constant 16 : i32
      %mul3A_66 = arith.muli %scan3A_22, %mul3A_65 : i32
      %swap3A_67 = arith.constant 7 : i32
      %swap3A_68 = arith.index_cast %swap3A_67 : i32 to index
      %swap3A_69 = arith.index_cast %mul3A_66 : i32 to index
      %swap3A_70 = tpu.vector_load %arg9[%swap3A_68, %swap3A_69] {strides = array<i32>} : memref<16x320xf32, #tpu.memory_space<vmem>>, vector<16xf32>,
      tpu.vector_store %arg9[%swap3A_68, %swap3A_69], %broadcast_in_dim3A_6 {strides = array<i32>} : memref<16x320xf32, #tpu.memory_space<vmem>>, vector<16xf32>,
      %mul3A_71 = arith.constant 16 : i32
      %mul3A_72 = arith.muli %scan3A_22, %mul3A_71 : i32
      %swap3A_73 = arith.constant 8 : i32
      %swap3A_74 = arith.index_cast %swap3A_73 : i32 to index
      %swap3A_75 = arith.index_cast %mul3A_72 : i32 to index
      %swap3A_76 = tpu.vector_load %arg9[%swap3A_74, %swap3A_75] {strides = array<i32>} : memref<16x320xf32, #tpu.memory_space<vmem>>, vector<16xf32>,
      tpu.vector_store %arg9[%swap3A_74, %swap3A_75], %broadcast_in_dim3A_6 {strides = array<i32>} : memref<16x320xf32, #tpu.memory_space<vmem>>, vector<16xf32>,
      %mul3A_77 = arith.constant 16 : i32
      %mul3A_78 = arith.muli %scan3A_22, %mul3A_77 : i32
      %swap3A_79 = arith.constant 9 : i32
      %swap3A_80 = arith.index_cast %swap3A_79 : i32 to index
      %swap3A_81 = arith.index_cast %mul3A_78 : i32 to index
      %swap3A_82 = tpu.vector_load %arg9[%swap3A_80, %swap3A_81] {strides = array<i32>} : memref<16x320xf32, #tpu.memory_space<vmem>>, vector<16xf32>,
      tpu.vector_store %arg9[%swap3A_80, %swap3A_81], %broadcast_in_dim3A_6 {strides = array<i32>} : memref<16x320xf32, #tpu.memory_space<vmem>>, vector<16xf32>,
      %mul3A_83 = arith.constant 16 : i32
      %mul3A_84 = arith.muli %scan3A_22, %mul3A_83 : i32
      %swap3A_85 = arith.constant 10 : i32
      %swap3A_86 = arith.index_cast %swap3A_85 : i32 to index
      %swap3A_87 = arith.index_cast %mul3A_84 : i32 to index
      %swap3A_88 = tpu.vector_load %arg9[%swap3A_86, %swap3A_87] {strides = array<i32>} : memref<16x320xf32, #tpu.memory_space<vmem>>, vector<16xf32>,
      tpu.vector_store %arg9[%swap3A_86, %swap3A_87], %broadcast_in_dim3A_6 {strides = array<i32>} : memref<16x320xf32, #tpu.memory_space<vmem>>, vector<16xf32>,
      %mul3A_89 = arith.constant 16 : i32
      %mul3A_90 = arith.muli %scan3A_22, %mul3A_89 : i32
      %swap3A_91 = arith.constant 11 : i32
      %swap3A_92 = arith.index_cast %swap3A_91 : i32 to index
      %swap3A_93 = arith.index_cast %mul3A_90 : i32 to index
      %swap3A_94 = tpu.vector_load %arg9[%swap3A_92, %swap3A_93] {strides = array<i32>} : memref<16x320xf32, #tpu.memory_space<vmem>>, vector<16xf32>,
      tpu.vector_store %arg9[%swap3A_92, %swap3A_93], %broadcast_in_dim3A_6 {strides = array<i32>} : memref<16x320xf32, #tpu.memory_space<vmem>>, vector<16xf32>,
      %mul3A_95 = arith.constant 16 : i32
      %mul3A_96 = arith.muli %scan3A_22, %mul3A_95 : i32
      %swap3A_97 = arith.constant 12 : i32
      %swap3A_98 = arith.index_cast %swap3A_97 : i32 to index
      %swap3A_99 = arith.index_cast %mul3A_96 : i32 to index
      %swap3A_100 = tpu.vector_load %arg9[%swap3A_98, %swap3A_99] {strides = array<i32>} : memref<16x320xf32, #tpu.memory_space<vmem>>, vector<16xf32>,
      tpu.vector_store %arg9[%swap3A_98, %swap3A_99], %broadcast_in_dim3A_6 {strides = array<i32>} : memref<16x320xf32, #tpu.memory_space<vmem>>, vector<16xf32>,
      %mul3A_101 = arith.constant 16 : i32
      %mul3A_102 = arith.muli %scan3A_22, %mul3A_101 : i32
      %swap3A_103 = arith.constant 13 : i32
      %swap3A_104 = arith.index_cast %swap3A_103 : i32 to index
      %swap3A_105 = arith.index_cast %mul3A_102 : i32 to index
      %swap3A_106 = tpu.vector_load %arg9[%swap3A_104, %swap3A_105] {strides = array<i32>} : memref<16x320xf32, #tpu.memory_space<vmem>>, vector<16xf32>,
      tpu.vector_store %arg9[%swap3A_104, %swap3A_105], %broadcast_in_dim3A_6 {strides = array<i32>} : memref<16x320xf32, #tpu.memory_space<vmem>>, vector<16xf32>,
      %mul3A_107 = arith.constant 16 : i32
      %mul3A_108 = arith.muli %scan3A_22, %mul3A_107 : i32
      %swap3A_109 = arith.constant 14 : i32
      %swap3A_110 = arith.index_cast %swap3A_109 : i32 to index
      %swap3A_111 = arith.index_cast %mul3A_108 : i32 to index
      %swap3A_112 = tpu.vector_load %arg9[%swap3A_110, %swap3A_111] {strides = array<i32>} : memref<16x320xf32, #tpu.memory_space<vmem>>, vector<16xf32>,
      tpu.vector_store %arg9[%swap3A_110, %swap3A_111], %broadcast_in_dim3A_6 {strides = array<i32>} : memref<16x320xf32, #tpu.memory_space<vmem>>, vector<16xf32>,
      %mul3A_113 = arith.constant 16 : i32
      %mul3A_114 = arith.muli %scan3A_22, %mul3A_113 : i32
      %swap3A_115 = arith.constant 15 : i32
      %swap3A_116 = arith.index_cast %swap3A_115 : i32 to index
      %swap3A_117 = arith.index_cast %mul3A_114 : i32 to index
      %swap3A_118 = tpu.vector_load %arg9[%swap3A_116, %swap3A_117] {strides = array<i32>} : memref<16x320xf32, #tpu.memory_space<vmem>>, vector<16xf32>,
      tpu.vector_store %arg9[%swap3A_116, %swap3A_117], %broadcast_in_dim3A_6 {strides = array<i32>} : memref<16x320xf32, #tpu.memory_space<vmem>>, vector<16xf32>,
      %scan3A_119 = arith.constant 0 : i32
      scf.yield %scan3A_119 : i32
    }
    %scan3A_12 = arith.constant 20 : i32
    %iota3A = tpu.iota {dimensions = array<i32: 0>} : vector<16xi32>
    %broadcast_in_dim3A_13 = arith.constant 0.000000e+00 : f32
    %broadcast_in_dim3A_14 = vector.broadcast %broadcast_in_dim3A_13 : f32 to vector<16xf32>
    %parallel_loop3A = arith.constant 0 : i32
    %parallel_loop3A_15 = arith.constant 16 : i32
    %parallel_loop3A_16 = arith.constant 1 : i32
    %parallel_loop3A_17 = scf.for %parallel_loop3A_22 = %parallel_loop3A to %parallel_loop3A_15 step %parallel_loop3A_16 iter_args(%parallel_loop3A_23 = %broadcast_in_dim3A_14) -> (vector<16xf32>)  : i32 {
      %parallel_loop3A_24 = arith.constant 8 : i32
      %parallel_loop3A_25 = arith.cmpi slt, %parallel_loop3A_22, %parallel_loop3A_24 : i32
      %parallel_loop3A_26 = arith.addi %mul3A_2, %parallel_loop3A_22 : i32
      %parallel_loop3A_27 = arith.constant 8 : i32
      %parallel_loop3A_28 = arith.subi %parallel_loop3A_22, %parallel_loop3A_27 : i32
      %parallel_loop3A_29 = arith.addi %sub3A_5, %parallel_loop3A_28 : i32
      %parallel_loop3A_30 = arith.select %parallel_loop3A_25, %parallel_loop3A_26, %parallel_loop3A_29 : i32
      %parallel_loop3A_31 = vector.broadcast %parallel_loop3A_30 : i32 to vector<16xi32>
      %parallel_loop3A_32 = tpu.vector_load_idx %arg7[%parallel_loop3A_31] : memref<512xi32, #tpu.memory_space<vmem>>[vector<16xi32>], vector<16xi32>,
      %parallel_loop3A_33 = arith.constant 4 : i32
      %parallel_loop3A_34 = arith.shrsi %parallel_loop3A_30, %parallel_loop3A_33 : i32
      %parallel_loop3A_35 = arith.constant 32 : i32
      %parallel_loop3A_36 = arith.constant 1 : i32
      %parallel_loop3A_37 = scf.for %parallel_loop3A_38 = %parallel_loop3A_34 to %parallel_loop3A_35 step %parallel_loop3A_36 iter_args(%parallel_loop3A_39 = %parallel_loop3A_23) -> (vector<16xf32>)  : i32 {
        %parallel_loop3A_40 = arith.constant 16 : i32
        %parallel_loop3A_41 = arith.muli %parallel_loop3A_38, %parallel_loop3A_40 : i32
        %parallel_loop3A_42 = arith.index_cast %parallel_loop3A_22 : i32 to index
        %parallel_loop3A_43 = arith.index_cast %parallel_loop3A_41 : i32 to index
        %parallel_loop3A_44 = tpu.vector_load %arg6[%parallel_loop3A_42, %parallel_loop3A_43] {strides = array<i32>} : memref<16x512xf32, #tpu.memory_space<vmem>>, vector<16xf32>,
        %parallel_loop3A_45 = arith.constant 16 : i32
        %parallel_loop3A_46 = arith.muli %parallel_loop3A_38, %parallel_loop3A_45 : i32
        %parallel_loop3A_47 = arith.index_cast %parallel_loop3A_46 : i32 to index
        %parallel_loop3A_48 = tpu.vector_load %arg7[%parallel_loop3A_47] {strides = array<i32>} : memref<512xi32, #tpu.memory_space<vmem>>, vector<16xi32>,
        %parallel_loop3A_49 = arith.constant 1.000000e+00 : f32
        %parallel_loop3A_50 = vector.broadcast %parallel_loop3A_49 : f32 to vector<16xf32>
        %parallel_loop3A_51 = arith.addf %parallel_loop3A_44, %parallel_loop3A_50 : vector<16xf32>
        %parallel_loop3A_52 = arith.constant 0.0133333337 : f32
        %parallel_loop3A_53 = vector.broadcast %parallel_loop3A_52 : f32 to vector<16xf32>
        %parallel_loop3A_54 = arith.divf %parallel_loop3A_51, %parallel_loop3A_53 : vector<16xf32>
        %parallel_loop3A_55 = arith.fptosi %parallel_loop3A_54 : vector<16xf32> to vector<16xi32>
        %parallel_loop3A_56 = arith.constant 150 : i32
        %parallel_loop3A_57 = vector.broadcast %parallel_loop3A_56 : i32 to vector<16xi32>
        %parallel_loop3A_58 = arith.minsi %parallel_loop3A_55, %parallel_loop3A_57 : vector<16xi32>
        %parallel_loop3A_59 = arith.sitofp %parallel_loop3A_58 : vector<16xi32> to vector<16xf32>
        %parallel_loop3A_60 = arith.constant 0.0133333337 : f32
        %parallel_loop3A_61 = vector.broadcast %parallel_loop3A_60 : f32 to vector<16xf32>
        %parallel_loop3A_62 = arith.mulf %parallel_loop3A_59, %parallel_loop3A_61 : vector<16xf32>
        %parallel_loop3A_63 = arith.constant 1.000000e+00 : f32
        %parallel_loop3A_64 = vector.broadcast %parallel_loop3A_63 : f32 to vector<16xf32>
        %parallel_loop3A_65 = arith.subf %parallel_loop3A_62, %parallel_loop3A_64 : vector<16xf32>
        %parallel_loop3A_66 = arith.subf %parallel_loop3A_44, %parallel_loop3A_65 : vector<16xf32>
        %parallel_loop3A_67 = arith.constant 7.500000e+01 : f32
        %parallel_loop3A_68 = vector.broadcast %parallel_loop3A_67 : f32 to vector<16xf32>
        %parallel_loop3A_69 = arith.mulf %parallel_loop3A_66, %parallel_loop3A_68 : vector<16xf32>
        %parallel_loop3A_70 = arith.constant 1.000000e+00 : f32
        %parallel_loop3A_71 = vector.broadcast %parallel_loop3A_70 : f32 to vector<16xf32>
        %parallel_loop3A_72 = arith.subf %parallel_loop3A_71, %parallel_loop3A_69 : vector<16xf32>
        %parallel_loop3A_73 = arith.constant 1 : i32
        %parallel_loop3A_74 = vector.broadcast %parallel_loop3A_73 : i32 to vector<16xi32>
        %parallel_loop3A_75 = arith.addi %parallel_loop3A_58, %parallel_loop3A_74 : vector<16xi32>
        %parallel_loop3A_76 = tpu.vector_load_idx %arg8[%parallel_loop3A_75] : memref<160xf32, #tpu.memory_space<vmem>>[vector<16xi32>], vector<16xf32>,
        %parallel_loop3A_77 = arith.mulf %parallel_loop3A_69, %parallel_loop3A_76 : vector<16xf32>
        %parallel_loop3A_78 = arith.constant 16 : i32
        %parallel_loop3A_79 = arith.muli %parallel_loop3A_38, %parallel_loop3A_78 : i32
        %parallel_loop3A_80 = vector.broadcast %parallel_loop3A_79 : i32 to vector<16xi32>
        %parallel_loop3A_81 = arith.addi %parallel_loop3A_80, %iota3A : vector<16xi32>
        %parallel_loop3A_82 = vector.broadcast %parallel_loop3A_30 : i32 to vector<16xi32>
        %parallel_loop3A_83 = arith.cmpi sgt, %parallel_loop3A_81, %parallel_loop3A_82 : vector<16xi32>
        %parallel_loop3A_84 = arith.cmpi eq, %parallel_loop3A_48, %parallel_loop3A_32 : vector<16xi32>
        %parallel_loop3A_85 = arith.andi %parallel_loop3A_83, %parallel_loop3A_84 : vector<16xi1>
        %parallel_loop3A_86 = arith.constant 160 : i32
        %parallel_loop3A_87 = arith.constant 0 : i32
        %parallel_loop3A_88 = vector.broadcast %parallel_loop3A_86 : i32 to vector<16xi32>
        %parallel_loop3A_89 = vector.broadcast %parallel_loop3A_87 : i32 to vector<16xi32>
        %parallel_loop3A_90 = arith.select %parallel_loop3A_85, %parallel_loop3A_88, %parallel_loop3A_89 : vector<16xi1>, vector<16xi32>
        %parallel_loop3A_91 = arith.constant 1 : i32
        %parallel_loop3A_92 = vector.broadcast %parallel_loop3A_91 : i32 to vector<16xi32>
        %parallel_loop3A_93 = arith.addi %parallel_loop3A_58, %parallel_loop3A_92 : vector<16xi32>
        %parallel_loop3A_94 = arith.addi %parallel_loop3A_93, %parallel_loop3A_90 : vector<16xi32>
        tpu.vector_store_idx %arg9[%iota3A, %parallel_loop3A_94], %parallel_loop3A_72 masked %parallel_loop3A_83 {add = true} : memref<16x320xf32, #tpu.memory_space<vmem>>[vector<16xi32>, vector<16xi32>], vector<16xf32>, vector<16xi1>
        %parallel_loop3A_95 = arith.constant 1 : i32
        %parallel_loop3A_96 = vector.broadcast %parallel_loop3A_95 : i32 to vector<16xi32>
        %parallel_loop3A_97 = arith.addi %parallel_loop3A_94, %parallel_loop3A_96 : vector<16xi32>
        tpu.vector_store_idx %arg9[%iota3A, %parallel_loop3A_97], %parallel_loop3A_77 masked %parallel_loop3A_83 {add = true} : memref<16x320xf32, #tpu.memory_space<vmem>>[vector<16xi32>, vector<16xi32>], vector<16xf32>, vector<16xi1>
        %parallel_loop3A_98 = arith.constant 1.000000e+00 : f32
        %parallel_loop3A_99 = arith.constant 0.000000e+00 : f32
        %parallel_loop3A_100 = vector.broadcast %parallel_loop3A_98 : f32 to vector<16xf32>
        %parallel_loop3A_101 = vector.broadcast %parallel_loop3A_99 : f32 to vector<16xf32>
        %parallel_loop3A_102 = arith.select %parallel_loop3A_85, %parallel_loop3A_100, %parallel_loop3A_101 : vector<16xi1>, vector<16xf32>
        %parallel_loop3A_103 = arith.addf %parallel_loop3A_39, %parallel_loop3A_102 : vector<16xf32>
        scf.yield %parallel_loop3A_103 : vector<16xf32>
      } {sc.loop_unroll_factor = 4 : i64, sc.parallel_access}
      scf.yield %parallel_loop3A_37 : vector<16xf32>
    } {sc.loop_unroll_factor = 1 : i64, sc.parallel_access}
    %broadcast_in_dim3A_18 = arith.constant 313 : i32
    %broadcast_in_dim3A_19 = vector.broadcast %broadcast_in_dim3A_18 : i32 to vector<16xi32>
    tpu.vector_store_idx %arg9[%iota3A, %broadcast_in_dim3A_19], %parallel_loop3A_17 : memref<16x320xf32, #tpu.memory_space<vmem>>[vector<16xi32>, vector<16xi32>], vector<16xf32>,
    %mul3A_20 = arith.constant 16 : i32
    %mul3A_21 = arith.muli %add3A, %mul3A_20 : i32
    "tpu.region"() ({
      %run_scoped3A = tpu.sem_alloc : memref<!tpu.dma_semaphore, #tpu.memory_space<semaphore_mem>>
      %dma_start3A = arith.constant 0 : i32
      %dma_start3A_22 = tpu.memref_slice %arg5[%mul3A_21, %dma_start3A] : memref<512x320xf32, #tpu.memory_space<hbm>> -> memref<16x320xf32, #tpu.memory_space<hbm>>
      %dma_start3A_23 = arith.constant 0 : i32
      %dma_start3A_24 = tpu.memref_slice %arg5[%mul3A_21, %dma_start3A_23] : memref<512x320xf32, #tpu.memory_space<hbm>> -> memref<16x320xf32, #tpu.memory_space<hbm>>
      tpu.enqueue_dma source(%arg9 : memref<16x320xf32, #tpu.memory_space<vmem>>) target(%dma_start3A_24 : memref<16x320xf32, #tpu.memory_space<hbm>>) target_semaphore(%run_scoped3A : memref<!tpu.dma_semaphore, #tpu.memory_space<semaphore_mem>>)
      %dma_wait3A = arith.constant 0 : i32
      %dma_wait3A_25 = tpu.memref_slice %arg5[%mul3A_21, %dma_wait3A] : memref<512x320xf32, #tpu.memory_space<hbm>> -> memref<16x320xf32, #tpu.memory_space<hbm>>
      %dma_wait3A_26 = arith.constant 0 : i32
      %dma_wait3A_27 = tpu.memref_slice %arg5[%mul3A_21, %dma_wait3A_26] : memref<512x320xf32, #tpu.memory_space<hbm>> -> memref<16x320xf32, #tpu.memory_space<hbm>>
      tpu.wait_dma2 semaphore(%run_scoped3A : memref<!tpu.dma_semaphore, #tpu.memory_space<semaphore_mem>>) src(%arg9 : memref<16x320xf32, #tpu.memory_space<vmem>>) dst(%dma_wait3A_27 : memref<16x320xf32, #tpu.memory_space<hbm>>)
      tpu.yield
    }) : () -> ()
    return
  }
}

module attributes {stable_mosaic.version = 14 : i64} {
  func.func @_matmul_body(%arg0: memref<512x128xf32, #tpu.memory_space<vmem>>, %arg1: memref<512x512xf32, #tpu.memory_space<vmem>>) attributes {dimension_semantics = [], scalar_prefetch = 0 : i64, scratch_operands = 0 : i64, tpu.core_type = #tpu.core_type<tc>} {
    %get3A = arith.constant 0 : index
    %get3A_0 = arith.constant 0 : index
    %get3A_1 = vector.load %arg0[%get3A, %get3A_0] : memref<512x128xf32, #tpu.memory_space<vmem>>, vector<512x128xf32>
    %dot_general3A = arith.constant dense<0.000000e+00> : vector<512x512xf32>
    %dot_general3A_2 = tpu.matmul %get3A_1, %get3A_1, %dot_general3A {dimension_numbers = #tpu.dot_dimension_numbers<[1], [1], [0], [0], [0, 0, 1, 0], [], []>, transpose_lhs_hint = false} : vector<512x128xf32>, vector<512x128xf32>, vector<512x512xf32> -> vector<512x512xf32>
    %swap3A = arith.constant 0 : index
    %swap3A_3 = arith.constant 0 : index
    %swap3A_4 = vector.load %arg1[%swap3A, %swap3A_3] : memref<512x512xf32, #tpu.memory_space<vmem>>, vector<512x512xf32>
    tpu.vector_store %arg1[%swap3A, %swap3A_3], %dot_general3A_2 {strides = array<i32>} : memref<512x512xf32, #tpu.memory_space<vmem>>, vector<512x512xf32>,
    return
  }
}

module attributes {stable_mosaic.version = 14 : i64} {
  func.func @_finish_body(%arg0: memref<512x320xf32, #tpu.memory_space<vmem>>, %arg1: memref<1x1xf32, #tpu.memory_space<vmem>>) attributes {dimension_semantics = [], scalar_prefetch = 0 : i64, scratch_operands = 0 : i64, tpu.core_type = #tpu.core_type<tc>} {
    %get3A = arith.constant 0 : index
    %get3A_0 = arith.constant 0 : index
    %get3A_1 = vector.load %arg0[%get3A, %get3A_0] : memref<512x320xf32, #tpu.memory_space<vmem>>, vector<512x320xf32>
    %reduce_sum3A = arith.constant dense<0.000000e+00> : vector<320xf32>
    %reduce_sum3A_2 = vector.multi_reduction <add>, %get3A_1, %reduce_sum3A [0] : vector<512x320xf32> to vector<320xf32>
    %broadcast_in_dim3A = vector.shape_cast %reduce_sum3A_2 : vector<320xf32> to vector<1x320xf32>
    %slice3A = vector.extract_strided_slice %broadcast_in_dim3A {offsets = [0, 1], sizes = [1, 151], strides = [1, 1]} : vector<1x320xf32> to vector<1x151xf32>
    %slice3A_3 = vector.extract_strided_slice %broadcast_in_dim3A {offsets = [0, 161], sizes = [1, 151], strides = [1, 1]} : vector<1x320xf32> to vector<1x151xf32>
    %slice3A_4 = vector.extract_strided_slice %broadcast_in_dim3A {offsets = [0, 313], sizes = [1, 1], strides = [1, 1]} : vector<1x320xf32> to vector<1x1xf32>
    %iota3A = tpu.iota {dimensions = array<i32: 0>} : vector<151x151xi32>
    %iota3A_5 = tpu.iota {dimensions = array<i32: 1>} : vector<151x151xi32>
    %le3A = arith.cmpi sle, %iota3A, %iota3A_5 : vector<151x151xi32>
    %jit3A = arith.constant 1.000000e+00 : f32
    %jit3A_6 = arith.constant 0.000000e+00 : f32
    %broadcast_in_dim3A_7 = vector.broadcast %jit3A : f32 to vector<151x151xf32>
    %broadcast_in_dim3A_8 = vector.broadcast %jit3A_6 : f32 to vector<151x151xf32>
    %select_n3A = arith.select %le3A, %broadcast_in_dim3A_7, %broadcast_in_dim3A_8 : vector<151x151xi1>, vector<151x151xf32>
    %dot_general3A = arith.constant dense<0.000000e+00> : vector<1x151xf32>
    %dot_general3A_9 = tpu.matmul %slice3A_3, %select_n3A, %dot_general3A {dimension_numbers = #tpu.dot_dimension_numbers<[1], [0], [0], [1], [0, 0, 1, 1], [], []>, transpose_lhs_hint = false} : vector<1x151xf32>, vector<151x151xf32>, vector<1x151xf32> -> vector<1x151xf32>
    %mul3A = arith.mulf %dot_general3A_9, %slice3A : vector<1x151xf32>
    %reduce_sum3A_10 = arith.constant dense<0.000000e+00> : vector<1xf32>
    %reduce_sum3A_11 = vector.multi_reduction <add>, %mul3A, %reduce_sum3A_10 [1] : vector<1x151xf32> to vector<1xf32>
    %broadcast_in_dim3A_12 = vector.shape_cast %reduce_sum3A_11 : vector<1xf32> to vector<1x1xf32>
    %sub3A = arith.constant 1.308160e+05 : f32
    %sub3A_13 = vector.broadcast %sub3A : f32 to vector<1x1xf32>
    %sub3A_14 = arith.subf %sub3A_13, %slice3A_4 : vector<1x1xf32>
    %mul3A_15 = arith.mulf %slice3A_4, %sub3A_14 : vector<1x1xf32>
    %div3A = arith.divf %broadcast_in_dim3A_12, %mul3A_15 : vector<1x1xf32>
    %swap3A = arith.constant 0 : index
    %swap3A_16 = arith.constant 0 : index
    %swap3A_17 = vector.load %arg1[%swap3A, %swap3A_16] : memref<1x1xf32, #tpu.memory_space<vmem>>, vector<1x1xf32>
    tpu.vector_store %arg1[%swap3A, %swap3A_16], %div3A {strides = array<i32>} : memref<1x1xf32, #tpu.memory_space<vmem>>, vector<1x1xf32>,
    return
  }
}

</mosaic_0001>

<sc_bundles>
// kernel: kernel.5.cloned.1.call-start
scs
__scs_entry_jumppad:
0x0: {  	(pc) =	sbr.rel $0x88, $3  }
0x1: {  	(tag) =	ssettag $0x0;
	lr =	simm.s32 $0x1  }
0x2: {  	[smem:$0x3F9F] =	sst lr;
	_ =	strace $0xD0000000  }
0x3: {  	_ = 	snop  }
0x4: {  	_ = 	snop  }
0x5: {  	_ = 	snop  }
0x6: {  	_ = 	snop  }
0x7: {  	_ = 	snop  }
__scs_overlays_trampoline_lowered:
0x8: {  	[smem:$0x3FAE] =	sst s0  }
0x9: {  	[smem:$0x3FAF] =	sst s1  }
0xa: {  	[smem:$0x3FB0] =	sst s2  }
0xb: {  	[smem:$0x3FB1] =	sst s3  }
0xc: {  	[smem:$0x3FB2] =	sst s4  }
0xd: {  	[smem:$0x3FB3] =	sst s5  }
0xe: {  	[smem:$0x3FB4] =	sst s6  }
0xf: {  	[smem:$0x3FB5] =	sst s7  }
0x10: {  	[smem:$0x3FB6] =	sst s8  }
0x11: {  	[smem:$0x3FB7] =	sst s9;
	s0 =	simm.s32 @!p0 $0x0  }
0x12: {  	s1 =	sld [smem:$0x3F9D];
	s0 =	simm.s32 @p0 $0x1  }
0x13: {  	[smem:$0x3FB8] =	sst s0;
	s0 =	simm.s32 @!p1 $0x0  }
0x14: {  	s2 =	sld [smem:$0x3F9C];
	s0 =	simm.s32 @p1 $0x1  }
0x15: {  	[smem:$0x3FB9] =	sst s0;
	s0 =	simm.s32 @!p2 $0x0  }
0x16: {  	s3 =	sld [smem:$0x3FDB];
	s0 =	simm.s32 @p2 $0x1  }
0x17: {  	s4 =	simm.s32 $0x1BF5;
	[smem:$0x3FBB] =	sst s0  }
0x18: {  	s0 =	sld [smem:$0x3F9E];
	_ =	swait.ge [sflag:s4], $0x0  }
0x19: {  	s7 =	sld [smem:$0x3F9F]  }
0x1a: {  	s8 =	sadd.s32 $0xFFFFE003, lr  }
0x1b: {  	s9 =	sadd.s32 $0xFFFFFEF7, lr;
	s5 =	simm.s32 $0xFFFFFFFF;
	p2 =	slt.u32 s8, $0xFFFFF086  }
0x1c: {  	p1 =	slt.u32 s9, $0xF7A;
	s5 =	simm.s32 @!p2 $0x0  }
0x1d: {  	s5 =	simm.s32 @p1 $0x1;
	p0 =	seq.s32 s7, s2  }
0x1e: {  	s7 =	smul.u32 @!p0 $0xF7A, s2;
	p2 =	seq.s32 @!p0 s5, $0x0  }
0x1f: {  	s9 =	smul.u32 $0xF7A, s1;
	s8 =	simm.s32 @!p0 $0x1BF5;
	p2 =	por !p2, p0  }
0x20: {  	[sflag:s8] =	ssyncset.s32 @!p0 $0xFFFFF086;
	s6 =	sadd.s32 @!p0 s3, s7;
	s7 =	simm.s32 @!p0 $0x108  }
0x21: {  	s3 =	sadd.s32 s3, s9;
	s6 =	sadd.s32 @!p0 $0x88, s6;
	s7 =	simm.s32 @p2 $0x1082  }
0x22: {  	[simem:s7], [sflag:s8] =	dma.local @!p0 [hbm:s6], $0xF7A  }
0x23: {  	s9 =	sor.u32 $0xD0000000, s2;
	s6 =	simm.s32 $0x108;
	_ =	swait.ge @!p0 [sflag:s8], $0x0  }
0x24: {  	s3 =	sadd.s32 $0x88, s3;
	s6 =	simm.s32 @!p1 $0x1082;
	[sflag:s4] =	ssyncset.s32 $0xFFFFF086  }
0x25: {  	[simem:s6], [sflag:s4] =	dma.local [hbm:s3], $0xF7A  }
0x26: {  	[smem:$0x3F9F] =	sst s1;
	(tag) =	ssettag s2;
	_ =	strace s9  }
0x27: {  	s1 =	sld [smem:$0x3FAF]  }
0x28: {  	s2 =	sld [smem:$0x3FB0]  }
0x29: {  	s4 =	sld [smem:$0x3FB2]  }
0x2a: {  	p0 =	seq.s32 s5, $0x0;
	s5 =	sld [smem:$0x3FB3]  }
0x2b: {  	s6 =	sld [smem:$0x3FB4]  }
0x2c: {  	s7 =	sld [smem:$0x3FB5]  }
0x2d: {  	s3 =	simm.s32 $0x108;
	s8 =	sld [smem:$0x3FB6]  }
0x2e: {  	s3 =	simm.s32 @!p0 $0x1082;
	s9 =	sld [smem:$0x3FB7]  }
0x2f: {  	lr =	sadd.s32 s0, s3;
	s0 =	sld [smem:$0x3FAE]  }
0x30: {  	s3 =	sld [smem:$0x3FB1]  }
0x31: {  	[smem:$0x3FBA] =	sst s10  }
0x32: {  	s10 =	sld [smem:$0x3FB8];
	_ =	sdelay $0x3  }
0x33: {  	p0 =	seq.s32 s10, $0x1;
	s10 =	sld [smem:$0x3FBA];
	_ =	sdelay $0x3  }
0x34: {  	[smem:$0x3FBA] =	sst s10  }
0x35: {  	s10 =	sld [smem:$0x3FB9];
	_ =	sdelay $0x3  }
0x36: {  	p1 =	seq.s32 s10, $0x1;
	s10 =	sld [smem:$0x3FBA];
	_ =	sdelay $0x3  }
0x37: {  	[smem:$0x3FBA] =	sst s10  }
0x38: {  	s10 =	sld [smem:$0x3FBB]  }
0x39: {  	_ = 	snop;
	(pc) =	sbr.ind lr, $3  }
0x3a: {  	_ = 	snop  }
0x3b: {  	_ = 	snop  }
0x3c: {  	p2 =	seq.s32 s10, $0x1;
	s10 =	sld [smem:$0x3FBA]  }
0x3d: {  	_ =	shalt  }
0x3e: {  	_ =	shalt  }
0x3f: {  	_ =	shalt  }
0x40: {  	_ =	shalt  }
0x41: {  	_ =	shalt  }
0x42: {  	_ =	shalt  }
0x43: {  	_ =	shalt  }
0x44: {  	_ =	shalt  }
0x45: {  	_ =	shalt  }
0x46: {  	_ =	shalt  }
0x47: {  	_ =	shalt  }
0x48: {  	_ =	shalt  }
0x49: {  	_ =	shalt  }
0x4a: {  	_ =	shalt  }
0x4b: {  	_ =	shalt  }
0x4c: {  	_ =	shalt  }
0x4d: {  	_ =	shalt  }
0x4e: {  	_ =	shalt  }
0x4f: {  	_ =	shalt  }
0x50: {  	_ =	shalt  }
0x51: {  	_ =	shalt  }
0x52: {  	_ =	shalt  }
0x53: {  	_ =	shalt  }
0x54: {  	_ =	shalt  }
0x55: {  	_ =	shalt  }
0x56: {  	_ =	shalt  }
0x57: {  	_ =	shalt  }
0x58: {  	_ =	shalt  }
0x59: {  	_ =	shalt  }
0x5a: {  	_ =	shalt  }
0x5b: {  	_ =	shalt  }
0x5c: {  	_ =	shalt  }
0x5d: {  	_ =	shalt  }
0x5e: {  	_ =	shalt  }
0x5f: {  	_ =	shalt  }
0x60: {  	_ =	shalt  }
0x61: {  	_ =	shalt  }
0x62: {  	_ =	shalt  }
0x63: {  	_ =	shalt  }
0x64: {  	_ =	shalt  }
0x65: {  	_ =	shalt  }
0x66: {  	_ =	shalt  }
0x67: {  	_ =	shalt  }
0x68: {  	_ =	shalt  }
0x69: {  	_ =	shalt  }
0x6a: {  	_ =	shalt  }
0x6b: {  	_ =	shalt  }
0x6c: {  	_ =	shalt  }
0x6d: {  	_ =	shalt  }
0x6e: {  	_ =	shalt  }
0x6f: {  	_ =	shalt  }
0x70: {  	_ =	shalt  }
0x71: {  	_ =	shalt  }
0x72: {  	_ =	shalt  }
0x73: {  	_ =	shalt  }
0x74: {  	_ =	shalt  }
0x75: {  	_ =	shalt  }
0x76: {  	_ =	shalt  }
0x77: {  	_ =	shalt  }
0x78: {  	_ =	shalt  }
0x79: {  	_ =	shalt  }
0x7a: {  	_ =	shalt  }
0x7b: {  	_ =	shalt  }
0x7c: {  	_ =	shalt  }
0x7d: {  	_ =	shalt  }
0x7e: {  	_ =	shalt  }
0x7f: {  	_ =	shalt  }
0x80: {  	_ =	shalt  }
0x81: {  	_ =	shalt  }
0x82: {  	_ =	shalt  }
0x83: {  	_ =	shalt  }
0x84: {  	_ =	shalt  }
0x85: {  	_ =	shalt  }
0x86: {  	_ =	shalt  }
0x87: {  	_ =	shalt  }
.Lfunc_end0:
.L_simem_size_0:
called_computation_lowered:
.L_overlay_start_0:
0x88: {  	s2 =	sld [smem:$0x3FD9]  }
0x89: {  	s3 =	sld [smem:$0x3FFE];
	_ =	sdelay $0x1  }
0x8a: {  	s1 =	srdreg.scid  }
0x8b: {  	s0 =	sand.u32 $0x1, s1  }
0x8c: {  	s17 =	sshll.u32 s0, $0xA;
	s2 =	sadd.s32 s3, s2  }
0x8d: {  	s2 =	sadd.s32 s2, s17  }
0x8e: {  	[smem:$0x3FC6] =	sst s2  }
0x8f: {  	_ = 	snop  }
0x90: {  	s2 =	sld [smem:$0x3FC8];
	(tm) =	ssettm $0x1  }
0x91: {  	s18 =	sld [smem:$0x3FFB];
	_ =	sdelay $0x3  }
0x92: {  	_ =	strace s18  }
0x93: {  	s3 =	sld [smem:$0x3FFC];
	_ =	sdelay $0x3  }
0x94: {  	_ =	strace s3  }
0x95: {  	s3 =	sld [smem:$0x3FFD];
	_ =	sdelay $0x3  }
0x96: {  	_ =	strace s3  }
0x97: {  	_ =	strace $0x8FFFFFFF  }
0x98: {  	s19 =	sld [smem:$0x3FDB];
	_ =	sdelay $0x1  }
0x99: {  	s4 =	simm.s32 $_scs_section_size  }
0x9a: {  	s5 =	simm.s32 $_size__tile_overlayer_lowered;
	s6 =	simm.s32 $_tile_overlayer_lowered  }
0x9b: {  	s22 =	simm.s32 $0x1BFF;
	s21 =	sshll.u32 s6, $0x1;
	s3 =	sadd.s32 s4, s19  }
0x9c: {  	s7 =	simm.s32 $0x0;
	s20 =	sshll.u32 s5, $0x1;
	s5 =	sadd.s32 s21, s3  }
0x9d: {  	[timem:s7], [sflag:s22] =	dma.local [hbm:s5], s20  }
0x9e: {  	_ =	swait.ge [sflag:s22], s20  }
0x9f: {  	s4 =	ssub.s32 $0x0, s20;
	[sflag:s22] =	ssyncset.done $0x0  }
0xa0: {  	[sflag:s22] =	ssyncadd.s32 s4;
	_ =	sdelay $0x1  }
0xa1: {  	s23 =	simm.s32 $0x1B8B  }
0xa2: {  	_ =	swait.ge [sflag:s23], $0x1  }
0xa3: {  	[sflag:s23] =	ssyncset.done $0x0  }
0xa4: {  	s25 =	simm.s32 $0x1B8E;
	s24 =	sld [smem:$0x3FFE];
	[sflag:s23] =	ssyncadd.s32 $0xFFFFFFFF  }
0xa5: {  	s26 =	simm.s32 $execute0_lowered;
	[smem:$0x3FD2] =	sst s25  }
0xa6: {  	s5 =	sshll.u32 s26, $0x1;
	_ =	strace $0x80000046;
	[dreg:$0x1] =	wrdreg $0xFFFFFFFF  }
0xa7: {  	s28 =	simm.s32 $_size_execute0_lowered;
	s3 =	sadd.s32 s3, s5;
	[dreg:$0x0] =	wrdreg $0x0  }
0xa8: {  	s5 =	sshll.u32 s28, $0x1;
	[dreg:$0x2] =	wrdreg s3  }
0xa9: {  	[dreg:$0x3] =	wrdreg s5  }
0xaa: {  	[dreg:$0x4] =	wrdreg $0xC0  }
0xab: {  	_ =	task [dreg:s7], $0x5FFFF  }
0xac: {  	[dreg:$0x1] =	wrdreg $0xFFFFFFFF  }
0xad: {  	[dreg:$0x0] =	wrdreg $0x60  }
0xae: {  	[dreg:$0x2] =	wrdreg s24  }
0xaf: {  	[dreg:$0x3] =	wrdreg s2  }
0xb0: {  	[dreg:$0x4] =	wrdreg $0x9  }
0xb1: {  	_ =	task.clear_ibuf [dreg:s7], $0x5FFFF;
	_ =	strace $0x90000046  }
0xb2: {  	s29 =	simm.s32 $0x9;
	_ =	strace $0x80000048  }
0xb3: {  	_ =	swait.ge [sflag:s29], $0x1  }
0xb4: {  	[sflag:s29] =	ssyncadd.s32 $0xFFFFFFFF  }
0xb5: {  	_ =	strace $0x90000048  }
0xb6: {  	_ =	sfence  }
0xb7: {  	s30 =	sld [smem:$0x0];
	_ =	sdelay $0x2  }
0xb8: {  	s31 =	sshll.u32 s1, $0xD;
	s1 =	sshrl.u32 s1, $0x2  }
0xb9: {  	s3 =	sand.u32 $0x4000, s31;
	s1 =	sadd.s32 s1, s30  }
0xba: {  	s0 =	sor.u32 s3, s0;
	s1 =	sshll.u32 s1, $0x11  }
0xbb: {  	s0 =	sor.u32 s1, s0  }
0xbc: {  	s0 =	sadd.s32 $0x8F2B, s0  }
0xbd: {  	[sflag:s0] =	ssyncadd.remote.s32 $0x1  }
0xbe: {  	_ =	sfence.sel $0xFFFF  }
0xbf: {  	[dreg:$0x0] =	wrdreg $0xFFFFFFFF;
	(pc) =	sbr.abs _section_cstart, $3  }
0xc0: {  	[dreg:$0x1] =	wrdreg $0xFFFFFFFF  }
0xc1: {  	_ =	task.clear_ibuf [dreg:s7], $0x2FFFF;
	_ =	strace $0x9FFFFFFF  }
0xc2: {  	(tm) =	ssettm $0x7FFFFFFF  }
0xc3: {  	_ =	shalt  }
tec
execute0_lowered:
.L_overlay_start_1:
0x0: {  	(tag) =	ssettag $0x1  }
0x1: {  	v0 =	vimm.f32 $1.333333370e-02  }
0x2: {  	v2 =	vimm.s32 $0xF80;
	vm0 =	vcmask $0x300;
	v3 =	vimm.s32 $0x17B9  }
0x3: {  	vm1 =	vcmask $0x704;
	vm15 =	vcmask $0xB08;
	v2 =	vsel vm0, $0x0, v2  }
0x4: {  	vm4 =	vcmask $0xF0C;
	v3 =	vsel vm0, $0x839, v3;
	v2 =	vsel vm1, $0x80, v2  }
0x5: {  	vm5 =	vcmask $0x1310;
	v3 =	vsel vm1, $0x8B9, v3;
	v2 =	vsel vm15, $0x100, v2  }
0x6: {  	s2 =	simm.s32 $0x0;
	vm6 =	vcmask $0x1714;
	v3 =	vsel vm15, $0x939, v3;
	v2 =	vsel vm4, $0x180, v2  }
0x7: {  	vm7 =	vcmask $0x1B18;
	[smem:$0x7FF] =	sst s2;
	v3 =	vsel vm4, $0x9B9, v3;
	v2 =	vsel vm5, $0x200, v2  }
0x8: {  	s5 =	rddreg [dreg:$0x0];
	vm8 =	vcmask $0x1F1C;
	_ =	strace $0x80000047;
	v3 =	vsel vm5, $0xA39, v3;
	v2 =	vsel vm6, $0x280, v2  }
0x9: {  	(erf) = vrcp.f32 v0;
	v3 =	vsel vm6, $0xAB9, v3;
	v2 =	vsel vm7, $0x300, v2  }
0xa: {  	s4 =	srdreg.scid;
	s0 =	stileid.u32;
	vm9 =	vcmask $0x2320;
	v3 =	vsel vm7, $0xB39, v3;
	v2 =	vsel vm8, $0x380, v2  }
0xb: {  	vm10 =	vcmask $0x2724;
	s12 =	simm.s32 $0x2000;
	s4 =	sand.u32 $0x1, s4;
	s6 =	sshll.u32 s0, $0x1;
	v3 =	vsel vm8, $0xBB9, v3;
	v2 =	vsel vm9, $0xC00, v2  }
0xc: {  	vm11 =	vcmask $0x2B28;
	s13 =	simm.s32 $0x2200;
	s14 =	simm.s32 $0x2300;
	s6 =	sor.u32 s4, s6;
	v3 =	vsel vm9, $0x1439, v3;
	v2 =	vsel vm10, $0xC80, v2  }
0xd: {  	vm12 =	vcmask $0x2F2C;
	s15 =	simm.s32 $0x0;
	s8 =	ssub.s32 $0x2, s4;
	s7 =	smul.u32 $0x300, s6;
	v3 =	vsel vm10, $0x14B9, v3;
	v2 =	vsel vm11, $0xD00, v2  }
.Ltmp0:
0xe: {  	vm13 =	vcmask $0x3330;
	s9 =	sadd.s32 $0xC00, s5;
	s10 =	sshrl.u32 s8, $0x1;
	v3 =	vsel vm11, $0x1539, v3;
	v2 =	vsel vm12, $0xD80, v2;
	(pc) =	sbr.rel .LBB2_1-.Ltmp0, $4  }
0xf: {  	v1 =	vimm.s32 $0x0;
	s4 =	sadd.s32 $0x8C00, s5;
	s31 =	sshll.u32 s6, $0x9;
	s10 =	ssub.s32 s8, s10;
	v3 =	vsel vm12, $0x15B9, v3;
	v2 =	vsel vm13, $0xE00, v2  }
0x10: {  	vm14 =	vcmask $0x3734;
	v0 =	vlaneseq.u32;
	s11 =	sadd.s32 s7, s5;
	s5 =	sshll.u32 s6, $0x3;
	s6 =	sadd.s32 s9, s31;
	v3 =	vsel vm13, $0x1639, v3  }
0x11: {  	vm15 =	vcmask $0x3B38;
	s7 =	ssub.s32 s9, s31;
	s9 =	smax.u32 s10, $0x1;
	s10 =	simm.s32 $0x1;
	v4 =	vsel vm14, $0xE80, v2;
	v5 =	vsel vm14, $0x16B9, v3  }
0x12: {  	s7 =	sadd.s32 $0x7E00, s7;
	s8 =	sadd.s32 $0x8E00, s11;
	s11 =	simm.s32 $0x1000;
	v3 =	vsel vm15, $0xF00, v4;
	v4 =	vimm.f32 $0.0e+00;
	v5 =	vsel vm15, $0x1739, v5;
	v2 =	vpop (erf)  }
.LBB2_12:
0x13: {  	_ =	sdelay $0x1  }
0x14: {  	s15 =	sadd.s32 $0x1, s15  }
0x15: {  	p0 =	sne.s32 s15, s9  }
.Ltmp1:
0x16: {  	[tilespmem:v5+s14+$0x0] =	vst.idx.msk $0xffff, v6;
	(pc) =	sbr.rel @!p0 .LBB2_13-.Ltmp1, $4  }
0x17: {  	[hbm4b:s8+s2] =	stream.linear.scatter [tilespmem:s14], [sflag:$0x1], $0x1800, $0x38;
	[tilespmem:$0x3B00] =	vst v63  }
0x18: {  	_ =	swait.ge [sflag:s10], $0x1800  }
0x19: {  	[sflag:s10] =	ssyncset.done $0x0  }
0x1a: {  	[sflag:s10] =	ssyncadd.s32 $0xFFFFE800  }
.LBB2_1:
0x1b: {  	[tilespmem:s2], [sflag:$0x1] =	stream.linear.gather [hbm4b:s6+s2], $0x1000, $0x38;
	[tilespmem:$0x3B00] =	vst v63  }
0x1c: {  	_ =	swait.ge [sflag:s10], $0x1000  }
0x1d: {  	[sflag:s10] =	ssyncset.done $0x0  }
0x1e: {  	[sflag:s10] =	ssyncadd.s32 $0xFFFFF000  }
0x1f: {  	[tilespmem:s11], [sflag:$0x1] =	stream.linear.gather [hbm4b:s7+s2], $0x1000, $0x38;
	[tilespmem:$0x3B00] =	vst v63  }
0x20: {  	_ =	swait.ge [sflag:s10], $0x1000  }
0x21: {  	[sflag:s10] =	ssyncset.done $0x0  }
0x22: {  	[sflag:s10] =	ssyncadd.s32 $0xFFFFF000  }
0x23: {  	s0 =	rddreg [dreg:$0x1]  }
0x24: {  	[tilespmem:s12], [sflag:$0x1] =	stream.linear.gather [hbm4b:s0+s2], $0x200, $0x38;
	[tilespmem:$0x3B00] =	vst v63  }
0x25: {  	_ =	swait.ge [sflag:s10], $0x200  }
0x26: {  	[sflag:s10] =	ssyncset.done $0x0  }
0x27: {  	[sflag:s10] =	ssyncadd.s32 $0xFFFFFE00  }
0x28: {  	[tilespmem:s13], [sflag:$0x1] =	stream.linear.gather [hbm4b:s4+s2], $0x100, $0x38;
	[tilespmem:$0x3B00] =	vst v63  }
0x29: {  	_ =	swait.ge [sflag:s10], $0x100  }
0x2a: {  	s16 =	sand.u32 $0x70, s2;
	s17 =	sand.u32 $0xC00, s2;
	[sflag:s10] =	ssyncset.done $0x0  }
0x2b: {  	s16 =	sor.u32 s16, s17;
	[sflag:s10] =	ssyncadd.s32 $0xFFFFFF00  }
0x2c: {  	[tilespmem:s16+$0x2380] =	vst v4  }
0x2d: {  	[tilespmem:s16+$0x2400] =	vst v4  }
0x2e: {  	[tilespmem:s16+$0x2480] =	vst v4  }
0x2f: {  	[tilespmem:s16+$0x2500] =	vst v4  }
0x30: {  	[tilespmem:s16+$0x2580] =	vst v4  }
0x31: {  	s19 =	sor.u32 s2, s2;
	v6 =	vimm.f32 $0.0e+00;
	s18 =	simm.s32 $0x0;
	s17 =	simm.s32 $0x10;
	[tilespmem:s16+$0x2600] =	vst v4  }
.LBB2_2:
0x32: {  	p0 =	sne.s32 s17, $0x130;
	[tilespmem:s16+$0x2300] =	vst v6;
	s19 =	sor.u32 $0x380, s19  }
0x33: {  	[tilespmem:s19+$0x2300] =	vst v6  }
0x34: {  	[tilespmem:s16+$0x2F00] =	vst v6  }
0x35: {  	[tilespmem:s16+$0x2F80] =	vst v6  }
0x36: {  	[tilespmem:s16+$0x3000] =	vst v6  }
0x37: {  	[tilespmem:s16+$0x3080] =	vst v6  }
0x38: {  	[tilespmem:s16+$0x3100] =	vst v6  }
0x39: {  	s18 =	sadd.s32 $0x80, s18;
	[tilespmem:s16+$0x3180] =	vst v6  }
0x3a: {  	s19 =	sand.u32 $0x70, s17;
	s20 =	sand.u32 $0xC00, s18;
	[tilespmem:s16+$0x3200] =	vst v6  }
0x3b: {  	[tilespmem:s16+$0x3280] =	vst v6;
	s16 =	sor.u32 s19, s20;
	v6 =	vimm.f32 $0.0e+00  }
0x3c: {  	[tilespmem:s16+$0x2380] =	vst v6  }
.Ltmp2:
0x3d: {  	[tilespmem:s16+$0x2400] =	vst v6;
	(pc) =	sbr.rel @p0 .LBB2_2-.Ltmp2, $4  }
0x3e: {  	[tilespmem:s16+$0x2480] =	vst v6  }
0x3f: {  	[tilespmem:s16+$0x2500] =	vst v6  }
0x40: {  	[tilespmem:s16+$0x2580] =	vst v6  }
0x41: {  	s19 =	sor.u32 s18, s17;
	s17 =	sadd.s32 $0x10, s17;
	[tilespmem:s16+$0x2600] =	vst v6  }
0x42: {  	[tilespmem:s16+$0x2300] =	vst v6;
	s17 =	sor.u32 $0x380, s19  }
0x43: {  	[tilespmem:s17+$0x2300] =	vst v6  }
0x44: {  	[tilespmem:s16+$0x2F00] =	vst v6  }
0x45: {  	[tilespmem:s16+$0x2F80] =	vst v6  }
0x46: {  	[tilespmem:s16+$0x3000] =	vst v6  }
.Ltmp3:
0x47: {  	[tilespmem:s16+$0x3080] =	vst v6;
	(pc) =	sbr.rel .LBB2_4-.Ltmp3, $4  }
0x48: {  	[tilespmem:s16+$0x3100] =	vst v6  }
0x49: {  	[tilespmem:s16+$0x3180] =	vst v6  }
0x4a: {  	[tilespmem:s16+$0x3200] =	vst v6  }
0x4b: {  	[tilespmem:s16+$0x3280] =	vst v6;
	s16 =	simm.s32 $0x0  }
.LBB2_11:
0x4c: {  	s16 =	sadd.s32 $0x1, s16  }
0x4d: {  	p0 =	sne.s32 s16, $0x10  }
.Ltmp4:
0x4e: {  	_ = 	snop;
	(pc) =	sbr.rel @!p0 .LBB2_12-.Ltmp4, $1  }
0x4f: {  	_ =	sdelay $0x3  }
.LBB2_4:
0x50: {  	s17 =	ssub.s32 s16, s5  }
0x51: {  	p0 =	slt.u32 s16, $0x8;
	s18 =	sadd.s32 s5, s16;
	s17 =	sadd.s32 $0x1F0, s17  }
0x52: {  	s17 =	smov.u32 @p0 s18  }
0x53: {  	v7 =	vmov s17;
	s17 =	sshra.s32 s17, $0x4  }
0x54: {  	p0 =	sgt.s32 s17, $0x1C  }
.Ltmp5:
0x55: {  	_ = 	snop;
	(pc) =	sbr.rel @p0 .LBB2_8-.Ltmp5, $4  }
0x56: {  	_ = 	snop  }
0x57: {  	s18 =	ssub.s32 $0x20, s17  }
0x58: {  	s19 =	sand.u32 $0xFFFFFFFC, s18  }
0x59: {  	s20 =	sshll.u32 s16, $0x9;
	s21 =	sshll.u32 s16, $0x7;
	s22 =	sadd.s32 s17, s19;
	v8 =	vld.idx.msk [tilespmem:v7+s12+$0x0], $0xffff  }
0x5a: {  	s23 =	sand.u32 $0x1000, s20;
	s24 =	sand.u32 $0x380, s21  }
0x5b: {  	s25 =	sshll.u32 s17, $0x6;
	s26 =	sshll.u32 s17, $0x4;
	s23 =	sor.u32 s24, s23  }
0x5c: {  	s31 =	sshra.s32 s25, $0x2;
	s25 =	sshll.u32 s17, $0x9;
	s30 =	sadd.s32 $0x10, s26  }
0x5d: {  	s3 =	sadd.s32 $0x30, s26;
	s28 =	sadd.s32 $0x2020, s31;
	s0 =	sadd.s32 $0x200, s25  }
0x5e: {  	s29 =	sadd.s32 $0x400, s25;
	s31 =	sand.u32 $0x70, s30;
	s24 =	sand.u32 $0xFFFFF000, s0;
	v9 =	vld [tilespmem:s28+$0xFFFFFFF0]  }
0x5f: {  	s29 =	sand.u32 $0xFFFFF000, s29;
	s0 =	sadd.s32 $0x600, s25;
	s24 =	sshra.s32 s24, $0x2  }
0x60: {  	v10 =	vld [tilespmem:s28+$0xFFFFFFE0];
	s29 =	sshra.s32 s29, $0x2;
	s0 =	sand.u32 $0xFFFFF000, s0;
	s24 =	sadd.s32 s24, s23  }
0x61: {  	v14 =	vld [tilespmem:s28+$0x10];
	s0 =	sshra.s32 s0, $0x2;
	s24 =	sadd.s32 s31, s24;
	s31 =	sadd.s32 $0x20, s26  }
0x62: {  	v11 =	vor.u32 s30, v0;
	s29 =	sadd.s32 s29, s23;
	s0 =	sadd.s32 s0, s23;
	v12 =	vld [tilespmem:s24+$0x0];
	s1 =	sand.u32 $0x70, s31  }
0x63: {  	vm0 =	vgt.s32 v11, v7;
	v15 =	vld [tilespmem:s28+$0x0];
	s24 =	sadd.s32 s1, s29;
	s1 =	sand.u32 $0x70, s3;
	s29 =	sand.u32 $0xFFFFF000, s25;
	vm1 =	veq.s32 v9, v8  }
0x64: {  	v13 =	vor.u32 s31, v0;
	v9 =	vor.u32 s26, v0;
	v11 =	vld [tilespmem:s24+$0x0];
	s0 =	sadd.s32 s1, s0;
	s30 =	sshra.s32 s29, $0x2;
	vm2 =	vmand vm0, vm1  }
0x65: {  	s31 =	sand.u32 $0x70, s26;
	vm3 =	vgt.s32 v9, v7;
	vm1 =	veq.s32 v10, v8;
	v10 =	vor.u32 s3, v0;
	v20 =	vld [tilespmem:s0+$0x0];
	s0 =	sadd.s32 s30, s23  }
0x66: {  	vm4 =	vmand vm3, vm1;
	v17 =	vsel vm2, $0x3F800000, v4;
	vm1 =	vmmov vm0;
	s0 =	sadd.s32 s31, s0  }
0x67: {  	v21 =	vsel vm2, $0xA0, v1;
	vm0 =	vgt.s32 v13, v7;
	v16 =	vadd.f32 $1.000000000e+00, v12;
	v9 =	vld [tilespmem:s0+$0x0]  }
0x68: {  	vm2 =	veq.s32 v15, v8;
	v18 =	vsel vm4, $0x3F800000, v4;
	v22 =	vsel vm4, $0xA0, v1  }
0x69: {  	vm4 =	veq.s32 v14, v8;
	v6 =	vadd.f32 v18, v6;
	v16 =	vmul.f32 v16, v2  }
0x6a: {  	vm2 =	vmand vm0, vm2;
	v19 =	vadd.f32 $1.000000000e+00, v11;
	v18 =	vadd.f32 $1.000000000e+00, v20  }
0x6b: {  	v6 =	vadd.f32 v17, v6;
	v17 =	vsel vm2, $0xA0, v1;
	v16 =	vtrunc.f32 v16  }
0x6c: {  	v19 =	vmul.f32 v19, v2;
	v14 =	vmul.f32 v18, v2;
	v15 =	vadd.f32 $1.000000000e+00, v9  }
0x6d: {  	v16 =	vcvt.f32.s32 v16;
	v18 =	vsel vm2, $0x3F800000, v4;
	vm2 =	vgt.s32 v10, v7  }
0x6e: {  	v13 =	vtrunc.f32 v19;
	v6 =	vadd.f32 v18, v6;
	vm4 =	vmand vm2, vm4  }
0x6f: {  	v14 =	vtrunc.f32 v14;
	vm5 =	vlt.s32 v16, $0x96;
	v10 =	vcvt.f32.s32 v13  }
0x70: {  	v13 =	vcvt.f32.s32 v14;
	v14 =	vmul.f32 v15, v2;
	v15 =	vnsel vm5, $0x96, v16  }
0x71: {  	v16 =	vsel vm4, $0x3F800000, v4;
	v18 =	vcvt.s32.f32 v15  }
0x72: {  	v6 =	vadd.f32 v16, v6;
	v16 =	vadd.s32 $0x1, v15;
	vm6 =	vlt.s32 v10, $0x96  }
0x73: {  	vm5 =	vlt.s32 v13, $0x96;
	v14 =	vtrunc.f32 v14;
	v10 =	vnsel vm6, $0x96, v10  }
0x74: {  	v13 =	vnsel vm5, $0x96, v13;
	v14 =	vcvt.f32.s32 v14;
	v23 =	vmul.f32 $1.333333370e-02, v18  }
0x75: {  	v18 =	vcvt.s32.f32 v10;
	v10 =	vadd.s32 $0x1, v10;
	v15 =	vcvt.s32.f32 v13  }
0x76: {  	v21 =	vadd.s32 v21, v16;
	v31 =	vadd.s32 $0x1, v13;
	v24 =	vadd.s32 v17, v10  }
0x77: {  	vm5 =	vlt.s32 v14, $0x96;
	v32 =	vand.u32 $0x7F, v24;
	v15 =	vmul.f32 $1.333333370e-02, v15  }
0x78: {  	v34 =	vadd.s32 $0x1, v24;
	v13 =	vnsel vm5, $0x96, v14;
	v14 =	vmul.f32 $1.333333370e-02, v18  }
0x79: {  	v18 =	vsel vm4, $0xA0, v1;
	v19 =	vcvt.s32.f32 v13;
	v26 =	vadd.f32 $-1.000000000e+00, v15  }
0x7a: {  	v15 =	vadd.s32 $0x1, v13;
	v13 =	vadd.f32 $-1.000000000e+00, v14;
	v14 =	vadd.s32 v18, v31  }
0x7b: {  	v27 =	vshll.u32 v24, $0x3;
	v25 =	vshll.u32 v34, $0x3;
	v17 =	vand.u32 $0x7F, v14  }
0x7c: {  	v18 =	vmul.f32 $1.333333370e-02, v19;
	v33 =	vshll.u32 v14, $0x3;
	v19 =	vadd.s32 v22, v15  }
0x7d: {  	v35 =	vadd.s32 $0x1, v14;
	v14 =	vadd.f32 $-1.000000000e+00, v23;
	v23 =	vld.idx.msk [tilespmem:v16+s13+$0x0], $0xffff;
	v16 =	vshll.u32 v21, $0x3  }
0x7e: {  	s24 =	sadd.s32 $0x4, s17;
	v22 =	vadd.s32 $0x1, v21;
	v13 =	vsub.f32 v11, v13;
	v11 =	vand.u32 $0x7F, v19  }
0x7f: {  	p0 =	slt.s32 s24, s22;
	v24 =	vand.u32 $0xFFFFFC00, v16;
	v28 =	vand.u32 $0x7F, v22;
	v12 =	vsub.f32 v12, v14  }
.Ltmp6:
0x80: {  	v29 =	vsub.f32 v20, v26;
	v20 =	vand.u32 $0xFFFFFC00, v27;
	v26 =	vshll.u32 v35, $0x3;
	(pc) =	sbr.rel @!p0 .LBB2_7-.Ltmp6, $4  }
0x81: {  	v27 =	vand.u32 $0x7F, v35;
	v14 =	vand.u32 $0xFFFFFC00, v25;
	v12 =	vmul.f32 $7.500000000e+01, v12  }
0x82: {  	v25 =	vand.u32 $0x7F, v21;
	v21 =	vshll.u32 v22, $0x3;
	v16 =	vmul.f32 $7.500000000e+01, v13  }
0x83: {  	v30 =	vand.u32 $0xFFFFFC00, v21;
	v13 =	vld.idx.msk [tilespmem:v10+s13+$0x0], $0xffff;
	v22 =	vsub.f32 $1.000000000e+00, v12;
	v21 =	vmul.f32 v12, v23  }
0x84: {  	s28 =	sadd.s32 $0x40, s28;
	s25 =	sadd.s32 $0x800, s25;
	s26 =	sadd.s32 $0x40, s26;
	v10 =	vld.idx.msk [tilespmem:v31+s13+$0x0], $0xffff;
	v12 =	vor.u32 v32, v20;
	v20 =	vand.u32 $0x7F, v34;
	v23 =	vand.u32 $0xFFFFFC00, v33  }
.LBB2_6:
0x85: {  	v24 =	vor.u32 v25, v24  }
0x86: {  	s0 =	sadd.s32 $0x10, s26;
	s3 =	sadd.s32 $0x200, s25;
	v31 =	vld [tilespmem:s28+$0xFFFFFFF0];
	s29 =	sadd.s32 $0x400, s25;
	v25 =	vor.u32 v28, v30;
	v28 =	vmul.f32 $7.500000000e+01, v29;
	vm4 =	vmmov vm3  }
0x87: {  	s30 =	sand.u32 $0xFFFFF000, s25;
	v26 =	vand.u32 $0xFFFFFC00, v26;
	s3 =	sand.u32 $0xFFFFF000, s3;
	v29 =	vor.u32 s0, v0;
	s29 =	sand.u32 $0xFFFFF000, s29;
	v24 =	vadd.s32 v3, v24  }
0x88: {  	s30 =	sshra.s32 s30, $0x2;
	v25 =	vadd.s32 v3, v25;
	v26 =	vor.u32 v27, v26;
	s3 =	sshra.s32 s3, $0x2;
	vm5 =	vgt.s32 v29, v7;
	s29 =	sshra.s32 s29, $0x2  }
0x89: {  	v18 =	vadd.f32 $-1.000000000e+00, v18;
	s0 =	sand.u32 $0x70, s0;
	v27 =	vshll.u32 v19, $0x3;
	v19 =	vadd.s32 $0x1, v19;
	s3 =	sadd.s32 s3, s23;
	s29 =	sadd.s32 s29, s23;
	v15 =	vld.idx.msk [tilespmem:v15+s13+$0x0], $0xffff  }
0x8a: {  	s31 =	sadd.s32 $0x600, s25;
	v32 =	vadd.s32 v3, v12;
	v17 =	vor.u32 v17, v23;
	v30 =	vand.u32 $0x7F, v19;
	v29 =	vld [tilespmem:s28+$0xFFFFFFE0];
	s0 =	sadd.s32 s0, s3;
	s3 =	sadd.s32 $0x20, s26  }
0x8b: {  	s31 =	sand.u32 $0xFFFFF000, s31;
	v17 =	vadd.s32 v3, v17;
	v12 =	vld [tilespmem:s0+$0x0];
	vm3 =	veq.s32 v31, v8;
	s0 =	sand.u32 $0x70, s3;
	v23 =	vor.u32 s3, v0;
	s3 =	sadd.s32 $0x30, s26  }
0x8c: {  	s31 =	sshra.s32 s31, $0x2;
	v27 =	vand.u32 $0xFFFFFC00, v27;
	v19 =	vshll.u32 v19, $0x3;
	s0 =	sadd.s32 s0, s29;
	s29 =	sand.u32 $0x70, s3;
	[tilespmem:v24+s14+$0x0] =	vst.idx.add.f32.msk vm1, v22;
	v22 =	vadd.s32 v3, v26  }
0x8d: {  	s1 =	sand.u32 $0x70, s26;
	v13 =	vmul.f32 v16, v13;
	s30 =	sadd.s32 s30, s23;
	s31 =	sadd.s32 s31, s23;
	v19 =	vand.u32 $0xFFFFFC00, v19;
	[tilespmem:v25+s14+$0x0] =	vst.idx.add.f32.msk vm1, v21;
	v21 =	vsub.f32 $1.000000000e+00, v16  }
0x8e: {  	s24 =	sadd.s32 $0x4, s24;
	v9 =	vsub.f32 v9, v18;
	s1 =	sadd.s32 s1, s30;
	v18 =	vor.u32 v30, v19;
	v19 =	vsub.f32 $1.000000000e+00, v28;
	v16 =	vld [tilespmem:s0+$0x0];
	s0 =	sadd.s32 s29, s31  }
0x8f: {  	v14 =	vor.u32 v20, v14;
	p0 =	slt.s32 s24, s22;
	v11 =	vor.u32 v11, v27;
	v24 =	vor.u32 s26, v0;
	[tilespmem:v32+s14+$0x0] =	vst.idx.add.f32.msk vm0, v21  }
0x90: {  	v14 =	vadd.s32 v3, v14;
	vm6 =	vmand vm5, vm3;
	v20 =	vor.u32 s3, v0;
	[tilespmem:v17+s14+$0x0] =	vst.idx.add.f32.msk vm2, v19  }
0x91: {  	v11 =	vadd.s32 v3, v11;
	v18 =	vadd.s32 v3, v18;
	v17 =	vsel vm6, $0x3F800000, v4;
	v19 =	vld [tilespmem:s28+$0x10]  }
0x92: {  	vm3 =	vgt.s32 v24, v7;
	v24 =	vmul.f32 $7.500000000e+01, v9;
	vm1 =	veq.s32 v29, v8;
	v21 =	vld [tilespmem:s0+$0x0]  }
0x93: {  	v10 =	vmul.f32 v28, v10;
	vm7 =	vmand vm3, vm1;
	vm1 =	vmmov vm5;
	v25 =	vld [tilespmem:s28+$0x0]  }
0x94: {  	v28 =	vsub.f32 $1.000000000e+00, v24;
	v27 =	vadd.f32 $1.000000000e+00, v12;
	v26 =	vsel vm7, $0x3F800000, v4;
	v9 =	vld [tilespmem:s1+$0x0]  }
0x95: {  	v15 =	vmul.f32 v24, v15;
	[tilespmem:v22+s14+$0x0] =	vst.idx.add.f32.msk vm2, v10  }
0x96: {  	v24 =	vadd.f32 $1.000000000e+00, v16;
	v10 =	vmul.f32 v27, v2;
	v22 =	vsel vm6, $0xA0, v1;
	[tilespmem:v11+s14+$0x0] =	vst.idx.add.f32.msk vm4, v28  }
0x97: {  	v6 =	vadd.f32 v26, v6;
	v11 =	vsel vm7, $0xA0, v1;
	v26 =	vadd.f32 $1.000000000e+00, v21;
	[tilespmem:v18+s14+$0x0] =	vst.idx.add.f32.msk vm4, v15  }
0x98: {  	v10 =	vtrunc.f32 v10;
	v15 =	vmul.f32 v24, v2;
	vm4 =	veq.s32 v19, v8;
	[tilespmem:v14+s14+$0x0] =	vst.idx.add.f32.msk vm0, v13  }
0x99: {  	v6 =	vadd.f32 v17, v6;
	vm0 =	vgt.s32 v23, v7;
	vm2 =	veq.s32 v25, v8  }
0x9a: {  	v13 =	vtrunc.f32 v15;
	vm2 =	vmand vm0, vm2;
	v14 =	vmul.f32 v26, v2  }
0x9b: {  	v10 =	vcvt.f32.s32 v10;
	v15 =	vadd.f32 $1.000000000e+00, v9;
	v17 =	vsel vm2, $0xA0, v1  }
0x9c: {  	v18 =	vsel vm2, $0x3F800000, v4;
	vm2 =	vgt.s32 v20, v7;
	v14 =	vtrunc.f32 v14  }
0x9d: {  	vm5 =	vlt.s32 v10, $0x96;
	v13 =	vcvt.f32.s32 v13;
	v14 =	vcvt.f32.s32 v14  }
0x9e: {  	v15 =	vmul.f32 v15, v2;
	v6 =	vadd.f32 v18, v6;
	vm4 =	vmand vm2, vm4  }
0x9f: {  	v10 =	vnsel vm5, $0x96, v10;
	v18 =	vsel vm4, $0x3F800000, v4;
	vm5 =	vlt.s32 v14, $0x96  }
0xa0: {  	v19 =	vcvt.s32.f32 v10;
	v15 =	vtrunc.f32 v15;
	v6 =	vadd.f32 v18, v6  }
0xa1: {  	v20 =	vadd.s32 $0x1, v10;
	vm6 =	vlt.s32 v13, $0x96;
	v10 =	vnsel vm5, $0x96, v14  }
0xa2: {  	v13 =	vnsel vm6, $0x96, v13;
	v14 =	vcvt.f32.s32 v15;
	v15 =	vcvt.s32.f32 v10  }
0xa3: {  	v23 =	vmul.f32 $1.333333370e-02, v19;
	v18 =	vcvt.s32.f32 v13;
	v13 =	vadd.s32 $0x1, v13  }
0xa4: {  	v10 =	vadd.s32 $0x1, v10;
	vm5 =	vlt.s32 v14, $0x96;
	v15 =	vmul.f32 $1.333333370e-02, v15  }
0xa5: {  	v19 =	vsel vm4, $0xA0, v1;
	v18 =	vmul.f32 $1.333333370e-02, v18;
	v14 =	vnsel vm5, $0x96, v14  }
0xa6: {  	v25 =	vadd.s32 v17, v13;
	v24 =	vcvt.s32.f32 v14;
	v26 =	vadd.f32 $-1.000000000e+00, v15  }
0xa7: {  	v27 =	vadd.s32 v19, v10;
	v15 =	vadd.s32 $0x1, v14;
	v14 =	vadd.f32 $-1.000000000e+00, v18  }
0xa8: {  	v31 =	vand.u32 $0x7F, v25;
	v32 =	vshll.u32 v25, $0x3;
	v17 =	vand.u32 $0x7F, v27  }
0xa9: {  	v33 =	vshll.u32 v27, $0x3;
	v18 =	vmul.f32 $1.333333370e-02, v24;
	v16 =	vsub.f32 v16, v14;
	v13 =	vld.idx.msk [tilespmem:v13+s13+$0x0], $0xffff  }
0xaa: {  	v34 =	vadd.s32 $0x1, v25;
	v27 =	vadd.s32 $0x1, v27;
	v19 =	vadd.s32 v11, v15;
	v10 =	vld.idx.msk [tilespmem:v10+s13+$0x0], $0xffff  }
0xab: {  	v11 =	vand.u32 $0x7F, v19;
	v14 =	vadd.f32 $-1.000000000e+00, v23;
	v23 =	vld.idx.msk [tilespmem:v20+s13+$0x0], $0xffff;
	v20 =	vadd.s32 v22, v20  }
0xac: {  	v25 =	vshll.u32 v34, $0x3;
	v22 =	vshll.u32 v20, $0x3;
	v28 =	vadd.s32 $0x1, v20  }
0xad: {  	v12 =	vsub.f32 v12, v14;
	v14 =	vand.u32 $0xFFFFFC00, v25;
	v24 =	vand.u32 $0xFFFFFC00, v22  }
.Ltmp7:
0xae: {  	v16 =	vmul.f32 $7.500000000e+01, v16;
	v25 =	vand.u32 $0x7F, v20;
	v20 =	vshll.u32 v28, $0x3;
	(pc) =	sbr.rel @p0 .LBB2_6-.Ltmp7, $4  }
0xaf: {  	v29 =	vsub.f32 v21, v26;
	v12 =	vmul.f32 $7.500000000e+01, v12;
	v28 =	vand.u32 $0x7F, v28  }
0xb0: {  	v26 =	vshll.u32 v27, $0x3;
	v30 =	vand.u32 $0xFFFFFC00, v20;
	v20 =	vand.u32 $0xFFFFFC00, v32  }
0xb1: {  	v27 =	vand.u32 $0x7F, v27;
	v22 =	vsub.f32 $1.000000000e+00, v12;
	v21 =	vmul.f32 v12, v23  }
0xb2: {  	s25 =	sadd.s32 $0x800, s25;
	s26 =	sadd.s32 $0x40, s26;
	s28 =	sadd.s32 $0x40, s28;
	v12 =	vor.u32 v31, v20;
	v20 =	vand.u32 $0x7F, v34;
	v23 =	vand.u32 $0xFFFFFC00, v33  }
.LBB2_7:
0xb3: {  	v24 =	vor.u32 v25, v24  }
0xb4: {  	v53 =	vor.u32 v28, v30;
	v54 =	vmul.f32 $7.500000000e+01, v29;
	vm3 =	vmmov vm3  }
0xb5: {  	v26 =	vand.u32 $0xFFFFFC00, v26;
	v18 =	vadd.f32 $-1.000000000e+00, v18;
	v55 =	vadd.s32 $0x1, v19  }
0xb6: {  	v56 =	vshll.u32 v19, $0x3;
	v17 =	vor.u32 v17, v23;
	v12 =	vadd.s32 v3, v12  }
0xb7: {  	v59 =	vsub.f32 $1.000000000e+00, v16;
	v24 =	vadd.s32 v3, v24;
	v25 =	vadd.s32 v3, v53  }
0xb8: {  	v26 =	vor.u32 v27, v26;
	v57 =	vand.u32 $0x7F, v55;
	v17 =	vadd.s32 v3, v17  }
0xb9: {  	v58 =	vshll.u32 v55, $0x3;
	v19 =	vand.u32 $0xFFFFFC00, v56;
	v26 =	vadd.s32 v3, v26  }
0xba: {  	v15 =	vld.idx.msk [tilespmem:v15+s13+$0x0], $0xffff;
	v23 =	vand.u32 $0xFFFFFC00, v58;
	v9 =	vsub.f32 v9, v18;
	v11 =	vor.u32 v11, v19  }
0xbb: {  	v61 =	vsub.f32 $1.000000000e+00, v54;
	v60 =	vor.u32 v57, v23;
	v11 =	vadd.s32 v3, v11;
	[tilespmem:v12+s14+$0x0] =	vst.idx.add.f32.msk vm0, v59  }
0xbc: {  	v14 =	vor.u32 v20, v14;
	v18 =	vadd.s32 v3, v60;
	v9 =	vmul.f32 $7.500000000e+01, v9;
	[tilespmem:v24+s14+$0x0] =	vst.idx.add.f32.msk vm1, v22  }
0xbd: {  	v62 =	vadd.s32 v3, v14;
	v10 =	vmul.f32 v54, v10;
	[tilespmem:v17+s14+$0x0] =	vst.idx.add.f32.msk vm2, v61  }
0xbe: {  	v63 =	vsub.f32 $1.000000000e+00, v9;
	[tilespmem:v25+s14+$0x0] =	vst.idx.add.f32.msk vm1, v21  }
0xbf: {  	v9 =	vmul.f32 v9, v15;
	[tilespmem:v26+s14+$0x0] =	vst.idx.add.f32.msk vm2, v10  }
0xc0: {  	v10 =	vmul.f32 v16, v13;
	[tilespmem:v11+s14+$0x0] =	vst.idx.add.f32.msk vm3, v63  }
0xc1: {  	[tilespmem:v18+s14+$0x0] =	vst.idx.add.f32.msk vm3, v9  }
0xc2: {  	[tilespmem:v62+s14+$0x0] =	vst.idx.add.f32.msk vm0, v10  }
.LBB2_8:
0xc3: {  	p0 =	sgt.s32 s22, $0x1F  }
.Ltmp8:
0xc4: {  	_ = 	snop;
	(pc) =	sbr.rel @p0 .LBB2_11-.Ltmp8, $1  }
0xc5: {  	_ =	sdelay $0x3  }
0xc6: {  	s20 =	sand.u32 $0x1000, s20;
	s21 =	sand.u32 $0x380, s21  }
0xc7: {  	s19 =	sadd.s32 s19, s17;
	s29 =	sshrl.u32 s18, $0x2;
	s22 =	sshll.u32 s17, $0x6  }
0xc8: {  	s31 =	sshll.u32 s17, $0x9;
	s24 =	sshll.u32 s17, $0x4;
	s30 =	sshll.u32 s29, $0x8  }
0xc9: {  	s20 =	sor.u32 s21, s20;
	s18 =	sadd.s32 $0xFFFFFFFF, s19;
	s19 =	sadd.s32 s22, s30  }
0xca: {  	s23 =	sshll.u32 s29, $0xB;
	s21 =	sshll.u32 s29, $0x6;
	s19 =	sshra.s32 s19, $0x2  }
0xcb: {  	s17 =	sadd.s32 s31, s23;
	s21 =	sadd.s32 s24, s21;
	s19 =	sadd.s32 $0x2000, s19  }
.LBB2_10:
0xcc: {  	s0 =	sand.u32 $0xFFFFF000, s17  }
0xcd: {  	s0 =	sshra.s32 s0, $0x2  }
0xce: {  	s1 =	sand.u32 $0x70, s21;
	s0 =	sadd.s32 s0, s20  }
0xcf: {  	s0 =	sadd.s32 s1, s0  }
0xd0: {  	v9 =	vld [tilespmem:s0+$0x0];
	_ =	sdelay $0x4  }
0xd1: {  	v10 =	vadd.f32 $1.000000000e+00, v9;
	_ =	sdelay $0x1  }
0xd2: {  	v10 =	vmul.f32 v10, v2;
	_ =	sdelay $0x1  }
0xd3: {  	v10 =	vtrunc.f32 v10  }
0xd4: {  	v10 =	vcvt.f32.s32 v10  }
0xd5: {  	v11 =	vld [tilespmem:s19+$0x0]  }
0xd6: {  	vm0 =	vlt.s32 v10, $0x96  }
0xd7: {  	v10 =	vnsel vm0, $0x96, v10  }
0xd8: {  	v12 =	vcvt.s32.f32 v10  }
0xd9: {  	v13 =	vor.u32 s21, v0  }
0xda: {  	vm15 =	vgt.s32 v13, v7;
	vm1 =	veq.s32 v11, v8;
	v12 =	vmul.f32 $1.333333370e-02, v12  }
0xdb: {  	vm1 =	vmand vm15, vm1;
	v10 =	vadd.s32 $0x1, v10  }
0xdc: {  	v59 =	vsel vm1, $0xA0, v1;
	v11 =	vadd.f32 $-1.000000000e+00, v12  }
0xdd: {  	v12 =	vadd.s32 v59, v10  }
0xde: {  	v60 =	vadd.s32 $0x1, v12;
	v9 =	vsub.f32 v9, v11;
	v11 =	vshll.u32 v12, $0x3  }
0xdf: {  	v12 =	vand.u32 $0x7F, v12;
	v14 =	vshll.u32 v60, $0x3;
	v11 =	vand.u32 $0xFFFFFC00, v11  }
0xe0: {  	v10 =	vld.idx.msk [tilespmem:v10+s13+$0x0], $0xffff;
	v61 =	vand.u32 $0x7F, v60;
	v62 =	vand.u32 $0xFFFFFC00, v14;
	v11 =	vor.u32 v12, v11  }
0xe1: {  	s18 =	sadd.s32 $0x1, s18;
	v12 =	vor.u32 v61, v62;
	v11 =	vadd.s32 v3, v11  }
0xe2: {  	p0 =	slt.s32 s18, $0x1F;
	v9 =	vmul.f32 $7.500000000e+01, v9;
	v12 =	vadd.s32 v3, v12  }
.Ltmp9:
0xe3: {  	_ = 	snop;
	(pc) =	sbr.rel @p0 .LBB2_10-.Ltmp9, $4  }
0xe4: {  	v63 =	vsub.f32 $1.000000000e+00, v9  }
0xe5: {  	v9 =	vmul.f32 v9, v10  }
0xe6: {  	v10 =	vsel vm1, $0x3F800000, v4;
	[tilespmem:v11+s14+$0x0] =	vst.idx.add.f32.msk vm15, v63  }
0xe7: {  	s17 =	sadd.s32 $0x200, s17;
	s19 =	sadd.s32 $0x10, s19;
	s21 =	sadd.s32 $0x10, s21;
	v6 =	vadd.f32 v10, v6;
	[tilespmem:v12+s14+$0x0] =	vst.idx.add.f32.msk vm15, v9  }
.Ltmp10:
0xe8: {  	_ = 	snop;
	(pc) =	sbr.rel .LBB2_11-.Ltmp10, $1  }
0xe9: {  	_ =	sdelay $0x3  }
.LBB2_13:
0xea: {  	_ =	sfence.sel $0x180000  }
0xeb: {  	[bflag:$0x0] =	sbarrier.arrive $0xFFFF  }
0xec: {  	_ =	strace $0x90000047  }
0xed: {  	s0 =	stileid.u32;
	[bflag:$0x2] =	sbarrier.arrive $0xFFFF  }
0xee: {  	p0 =	sne.s32 s0, $0x0;
	s0 =	rddreg [dreg:$0x2]  }
0xef: {  	s0 =	sadd.s32 @!p0 $0x100000, s0  }
0xf0: {  	[sflag:s0] =	ssyncadd.tile.s32 @!p0 $0x1;
	_ =	shalt  }
.Lfunc_end2:
_tile_overlayer_lowered:
.L_overlay_start_2:
0xf1: {  	(tag) =	ssettag $0x2  }
0xf2: {  	s0 =	rddreg [dreg:$0x0];
	s2 =	stileid.u32  }
0xf3: {  	s1 =	rddreg [dreg:$0x1];
	p0 =	sne.s32 s2, $0x0  }
0xf4: {  	s3 =	rddreg [dreg:$0x2];
	[bflag:$0x3] =	sbarrier.arrive $0xFFFF;
	s2 =	simm.s32 @!p0 $0x1C01  }
0xf5: {  	[timem:s3], [sflag:s2] =	dma.local @!p0 [hbm:s0], s1  }
0xf6: {  	s0 =	simm.s32 @!p0 $0x1  }
0xf7: {  	_ =	swait.ge @!p0 [sflag:s0], s1  }
0xf8: {  	s1 =	ssub.s32 @!p0 $0x0, s1;
	[sflag:s0] =	ssyncset.done @!p0 $0x0  }
0xf9: {  	[sflag:s0] =	ssyncadd.s32 @!p0 s1  }
0xfa: {  	[bflag:$0x3] =	sbarrier.arrive $0xFFFF  }
0xfb: {  	_ =	shalt  }

</sc_bundles>
